<compile_context>
chip_gen: v7x
topology: tpu7x:2x2x1
jax: 0.10.2.dev20260603
libtpu: 0.0.44.dev20260713+nightly
codegen_flags: <defaults>
</compile_context>

<pallas_src>
import functools

import jax
import jax.numpy as jnp
from jax import lax
from jax.experimental import pallas as pl
from jax.experimental.pallas import tpu as pltpu
from jax.experimental.pallas import tpu_sc as plsc

HIDDEN_DIM = 2048
NUM_CHOICES = 64
BLOCK_M = 1024
N_TOK = 16384

_info = plsc.get_sparse_core_info()
_NC, _NS = _info.num_cores, _info.num_subcores
_NW = _NC * _NS
_B_PER_W = N_TOK // _NW
_GATHER_CHUNK = 128


def _argmax_kernel(x_ref, w_ref, b_ref, o_ref):
    logits_t = jax.lax.dot_general(
        w_ref[...], x_ref[...],
        dimension_numbers=(((1,), (1,)), ((), ())),
        preferred_element_type=jnp.float32,
    )
    logits_t = logits_t + b_ref[...]
    col_max = jnp.max(logits_t, axis=0, keepdims=True)
    row = jax.lax.broadcasted_iota(jnp.int32, logits_t.shape, 0)
    cand = jnp.where(logits_t == col_max, row, NUM_CHOICES)
    idx = jnp.min(cand, axis=0, keepdims=True)
    o_ref[...] = jnp.broadcast_to(idx, (8, idx.shape[1]))


def _tc_argmax(x, W, b):
    n = x.shape[0]
    b2 = b.reshape(NUM_CHOICES, 1)
    return pl.pallas_call(
        _argmax_kernel,
        grid=(n // BLOCK_M,),
        in_specs=[
            pl.BlockSpec((BLOCK_M, HIDDEN_DIM), lambda i: (i, 0)),
            pl.BlockSpec((NUM_CHOICES, HIDDEN_DIM), lambda i: (0, 0)),
            pl.BlockSpec((NUM_CHOICES, 1), lambda i: (0, 0)),
        ],
        out_specs=pl.BlockSpec((8, BLOCK_M), lambda i: (0, i)),
        out_shape=jax.ShapeDtypeStruct((8, n), jnp.int32),
        compiler_params=pltpu.CompilerParams(
            dimension_semantics=("arbitrary",),
        ),
    )(x, W, b2)


@functools.partial(
    pl.kernel,
    mesh=plsc.VectorSubcoreMesh(core_axis_name="c", subcore_axis_name="s"),
    out_type=jax.ShapeDtypeStruct((NUM_CHOICES, N_TOK), jnp.float32),
    scratch_types=[
        pltpu.VMEM((_B_PER_W,), jnp.int32),
        pltpu.VMEM((NUM_CHOICES, _B_PER_W), jnp.float32),
    ],
)
def _sc_onehot(idx_hbm, out_hbm, idx_v, buf_v):
    wid = lax.axis_index("s") * _NC + lax.axis_index("c")
    base = wid * _B_PER_W
    pltpu.sync_copy(idx_hbm.at[pl.ds(base, _B_PER_W)], idx_v)

    @pl.loop(0, _B_PER_W // 16)
    def _chunk(j):
        v = idx_v[pl.ds(j * 16, 16)]
        for c in range(NUM_CHOICES):
            buf_v[c, pl.ds(j * 16, 16)] = jnp.where(
                v == c, jnp.float32(1.0), jnp.float32(0.0)
            )

    pltpu.sync_copy(buf_v, out_hbm.at[:, pl.ds(base, _B_PER_W)])


def kernel(x, W, b):
    idx8 = _tc_argmax(x, W, b)
    idx1d = idx8[0]
    return _sc_onehot(idx1d).T

# --- scband reference (transcript-rebuilt; emitter-appended) ---
"""Pipeline reference for scband-aimlegating-network-15659450761313 (READ-ONLY COPY).

The authoritative reference and input builder live on the scoring server;
editing this copy changes nothing except your own understanding.
"""

import jax, jax.numpy as jnp
import numpy as np

HIDDEN_DIM = 2048
NUM_CHOICES = 64
N_TOKENS = 16384


def setup_inputs(seed: int = 0) -> dict:
    key = jax.random.key(seed)
    kx, kw, kb = jax.random.split(key, 3)
    x = jax.random.normal(kx, (N_TOKENS, HIDDEN_DIM), dtype=jnp.float32)
    # nn.Linear(hidden_dim, num_choices): weight [num_choices, hidden_dim], bias [num_choices]
    bound = 1.0 / np.sqrt(HIDDEN_DIM)
    W = jax.random.uniform(kw, (NUM_CHOICES, HIDDEN_DIM), dtype=jnp.float32, minval=-bound, maxval=bound)
    b = jax.random.uniform(kb, (NUM_CHOICES,), dtype=jnp.float32, minval=-bound, maxval=bound)
    return {"x": x, "W": W, "b": b}


def onehot_argmax_for_imle(logits):
    # inference path: argmax -> one_hot, cast back to input dtype
    idx = jnp.argmax(logits, axis=-1)
    return jax.nn.one_hot(idx, logits.shape[-1], dtype=logits.dtype)


def reference(x, W, b):
    # AIMLEGatingNetwork.forward (eval / inference path):
    #   x = self.fc(x); x = onehot_argmax_for_imle(x)
    logits = x @ W.T + b
    return onehot_argmax_for_imle(logits)

if __name__ == "__main__":
    import jax
    _d = setup_inputs()
    print(jax.jit(kernel)(*tuple(_d.values())))

</pallas_src>

<mosaic_0001>
#map = affine_map<(d0, d1) -> (0)>
#map1 = affine_map<(d0, d1) -> (0, 0)>
module attributes {stable_mosaic.version = 14 : i64} {
  func.func @_sc_onehot(%arg0: i32, %arg1: i32, %arg2: memref<16384xi32, #tpu.memory_space<hbm>>, %arg3: memref<64x16384xf32, #tpu.memory_space<hbm>>, %arg4: memref<512xi32, #tpu.memory_space<vmem>>, %arg5: memref<64x512xf32, #tpu.memory_space<vmem>>) attributes {dimension_semantics = [#tpu.dimension_semantics<core_parallel>, #tpu.dimension_semantics<subcore_parallel>], iteration_bounds = array<i64: 2, 16>, scalar_prefetch = 0 : i64, scratch_operands = 2 : i64, tpu.core_type = #tpu.core_type<sc_vector_subcore>, window_params = [{transform_indices = #map}, {transform_indices = #map1}]} {
    %mul3A = arith.constant 2 : i32
    %mul3A_0 = arith.muli %arg1, %mul3A : i32
    %add3A = arith.addi %mul3A_0, %arg0 : i32
    %mul3A_1 = arith.constant 512 : i32
    %mul3A_2 = arith.muli %add3A, %mul3A_1 : i32
    "tpu.region"() ({
      %run_scoped3A = tpu.sem_alloc : memref<!tpu.dma_semaphore, #tpu.memory_space<semaphore_mem>>
      %dma_start3A = tpu.memref_slice %arg2[%mul3A_2] : memref<16384xi32, #tpu.memory_space<hbm>> -> memref<512xi32, #tpu.memory_space<hbm>>
      %dma_start3A_7 = tpu.memref_slice %arg2[%mul3A_2] : memref<16384xi32, #tpu.memory_space<hbm>> -> memref<512xi32, #tpu.memory_space<hbm>>
      tpu.enqueue_dma source(%dma_start3A_7 : memref<512xi32, #tpu.memory_space<hbm>>) target(%arg4 : memref<512xi32, #tpu.memory_space<vmem>>) target_semaphore(%run_scoped3A : memref<!tpu.dma_semaphore, #tpu.memory_space<semaphore_mem>>)
      %dma_wait3A = tpu.memref_slice %arg2[%mul3A_2] : memref<16384xi32, #tpu.memory_space<hbm>> -> memref<512xi32, #tpu.memory_space<hbm>>
      %dma_wait3A_8 = tpu.memref_slice %arg2[%mul3A_2] : memref<16384xi32, #tpu.memory_space<hbm>> -> memref<512xi32, #tpu.memory_space<hbm>>
      tpu.wait_dma2 semaphore(%run_scoped3A : memref<!tpu.dma_semaphore, #tpu.memory_space<semaphore_mem>>) src(%dma_wait3A_8 : memref<512xi32, #tpu.memory_space<hbm>>) dst(%arg4 : memref<512xi32, #tpu.memory_space<vmem>>)
      tpu.yield
    }) : () -> ()
    %scan3A = arith.constant 0 : i32
    %scan3A_3 = arith.constant 32 : i32
    %scan3A_4 = arith.addi %scan3A, %scan3A_3 : i32
    %scan3A_5 = arith.constant 1 : i32
    scf.for %scan3A_7 = %scan3A to %scan3A_4 step %scan3A_5  : i32 {
      %mul3A_8 = arith.constant 1 : i32
      %mul3A_9 = arith.muli %scan3A_7, %mul3A_8 : i32
      %add3A_10 = arith.constant 0 : i32
      %add3A_11 = arith.addi %add3A_10, %mul3A_9 : i32
      %mul3A_12 = arith.constant 16 : i32
      %mul3A_13 = arith.muli %add3A_11, %mul3A_12 : i32
      %get3A = arith.index_cast %mul3A_13 : i32 to index
      %get3A_14 = tpu.vector_load %arg4[%get3A] {strides = array<i32>} : memref<512xi32, #tpu.memory_space<vmem>>, vector<16xi32>,
      %get3A_15 = vector.shape_cast %get3A_14 : vector<16xi32> to vector<16xi32>
      %eq3A = arith.constant 0 : i32
      %eq3A_16 = vector.broadcast %eq3A : i32 to vector<16xi32>
      %eq3A_17 = arith.cmpi eq, %get3A_15, %eq3A_16 : vector<16xi32>
      %jit3A = arith.constant 1.000000e+00 : f32
      %jit3A_18 = arith.constant 0.000000e+00 : f32
      %broadcast_in_dim3A = vector.broadcast %jit3A : f32 to vector<16xf32>
      %broadcast_in_dim3A_19 = vector.broadcast %jit3A_18 : f32 to vector<16xf32>
      %select_n3A = arith.select %eq3A_17, %broadcast_in_dim3A, %broadcast_in_dim3A_19 : vector<16xi1>, vector<16xf32>
      %mul3A_20 = arith.constant 16 : i32
      %mul3A_21 = arith.muli %add3A_11, %mul3A_20 : i32
      %swap3A = arith.constant 0 : i32
      %swap3A_22 = arith.index_cast %swap3A : i32 to index
      %swap3A_23 = arith.index_cast %mul3A_21 : i32 to index
      %swap3A_24 = tpu.vector_load %arg5[%swap3A_22, %swap3A_23] {strides = array<i32>} : memref<64x512xf32, #tpu.memory_space<vmem>>, vector<1x16xf32>,
      %swap3A_25 = vector.shape_cast %swap3A_24 : vector<1x16xf32> to vector<16xf32>
      %swap3A_26 = vector.shape_cast %select_n3A : vector<16xf32> to vector<1x16xf32>
      tpu.vector_store %arg5[%swap3A_22, %swap3A_23], %swap3A_26 {strides = array<i32>} : memref<64x512xf32, #tpu.memory_space<vmem>>, vector<1x16xf32>,
      %eq3A_27 = arith.constant 1 : i32
      %eq3A_28 = vector.broadcast %eq3A_27 : i32 to vector<16xi32>
      %eq3A_29 = arith.cmpi eq, %get3A_15, %eq3A_28 : vector<16xi32>
      %jit3A_30 = arith.constant 1.000000e+00 : f32
      %jit3A_31 = arith.constant 0.000000e+00 : f32
      %broadcast_in_dim3A_32 = vector.broadcast %jit3A_30 : f32 to vector<16xf32>
      %broadcast_in_dim3A_33 = vector.broadcast %jit3A_31 : f32 to vector<16xf32>
      %select_n3A_34 = arith.select %eq3A_29, %broadcast_in_dim3A_32, %broadcast_in_dim3A_33 : vector<16xi1>, vector<16xf32>
      %mul3A_35 = arith.constant 16 : i32
      %mul3A_36 = arith.muli %add3A_11, %mul3A_35 : i32
      %swap3A_37 = arith.constant 1 : i32
      %swap3A_38 = arith.index_cast %swap3A_37 : i32 to index
      %swap3A_39 = arith.index_cast %mul3A_36 : i32 to index
      %swap3A_40 = tpu.vector_load %arg5[%swap3A_38, %swap3A_39] {strides = array<i32>} : memref<64x512xf32, #tpu.memory_space<vmem>>, vector<1x16xf32>,
      %swap3A_41 = vector.shape_cast %swap3A_40 : vector<1x16xf32> to vector<16xf32>
      %swap3A_42 = vector.shape_cast %select_n3A_34 : vector<16xf32> to vector<1x16xf32>
      tpu.vector_store %arg5[%swap3A_38, %swap3A_39], %swap3A_42 {strides = array<i32>} : memref<64x512xf32, #tpu.memory_space<vmem>>, vector<1x16xf32>,
      %eq3A_43 = arith.constant 2 : i32
      %eq3A_44 = vector.broadcast %eq3A_43 : i32 to vector<16xi32>
      %eq3A_45 = arith.cmpi eq, %get3A_15, %eq3A_44 : vector<16xi32>
      %jit3A_46 = arith.constant 1.000000e+00 : f32
      %jit3A_47 = arith.constant 0.000000e+00 : f32
      %broadcast_in_dim3A_48 = vector.broadcast %jit3A_46 : f32 to vector<16xf32>
      %broadcast_in_dim3A_49 = vector.broadcast %jit3A_47 : f32 to vector<16xf32>
      %select_n3A_50 = arith.select %eq3A_45, %broadcast_in_dim3A_48, %broadcast_in_dim3A_49 : vector<16xi1>, vector<16xf32>
      %mul3A_51 = arith.constant 16 : i32
      %mul3A_52 = arith.muli %add3A_11, %mul3A_51 : i32
      %swap3A_53 = arith.constant 2 : i32
      %swap3A_54 = arith.index_cast %swap3A_53 : i32 to index
      %swap3A_55 = arith.index_cast %mul3A_52 : i32 to index
      %swap3A_56 = tpu.vector_load %arg5[%swap3A_54, %swap3A_55] {strides = array<i32>} : memref<64x512xf32, #tpu.memory_space<vmem>>, vector<1x16xf32>,
      %swap3A_57 = vector.shape_cast %swap3A_56 : vector<1x16xf32> to vector<16xf32>
      %swap3A_58 = vector.shape_cast %select_n3A_50 : vector<16xf32> to vector<1x16xf32>
      tpu.vector_store %arg5[%swap3A_54, %swap3A_55], %swap3A_58 {strides = array<i32>} : memref<64x512xf32, #tpu.memory_space<vmem>>, vector<1x16xf32>,
      %eq3A_59 = arith.constant 3 : i32
      %eq3A_60 = vector.broadcast %eq3A_59 : i32 to vector<16xi32>
      %eq3A_61 = arith.cmpi eq, %get3A_15, %eq3A_60 : vector<16xi32>
      %jit3A_62 = arith.constant 1.000000e+00 : f32
      %jit3A_63 = arith.constant 0.000000e+00 : f32
      %broadcast_in_dim3A_64 = vector.broadcast %jit3A_62 : f32 to vector<16xf32>
      %broadcast_in_dim3A_65 = vector.broadcast %jit3A_63 : f32 to vector<16xf32>
      %select_n3A_66 = arith.select %eq3A_61, %broadcast_in_dim3A_64, %broadcast_in_dim3A_65 : vector<16xi1>, vector<16xf32>
      %mul3A_67 = arith.constant 16 : i32
      %mul3A_68 = arith.muli %add3A_11, %mul3A_67 : i32
      %swap3A_69 = arith.constant 3 : i32
      %swap3A_70 = arith.index_cast %swap3A_69 : i32 to index
      %swap3A_71 = arith.index_cast %mul3A_68 : i32 to index
      %swap3A_72 = tpu.vector_load %arg5[%swap3A_70, %swap3A_71] {strides = array<i32>} : memref<64x512xf32, #tpu.memory_space<vmem>>, vector<1x16xf32>,
      %swap3A_73 = vector.shape_cast %swap3A_72 : vector<1x16xf32> to vector<16xf32>
      %swap3A_74 = vector.shape_cast %select_n3A_66 : vector<16xf32> to vector<1x16xf32>
      tpu.vector_store %arg5[%swap3A_70, %swap3A_71], %swap3A_74 {strides = array<i32>} : memref<64x512xf32, #tpu.memory_space<vmem>>, vector<1x16xf32>,
      %eq3A_75 = arith.constant 4 : i32
      %eq3A_76 = vector.broadcast %eq3A_75 : i32 to vector<16xi32>
      %eq3A_77 = arith.cmpi eq, %get3A_15, %eq3A_76 : vector<16xi32>
      %jit3A_78 = arith.constant 1.000000e+00 : f32
      %jit3A_79 = arith.constant 0.000000e+00 : f32
      %broadcast_in_dim3A_80 = vector.broadcast %jit3A_78 : f32 to vector<16xf32>
      %broadcast_in_dim3A_81 = vector.broadcast %jit3A_79 : f32 to vector<16xf32>
      %select_n3A_82 = arith.select %eq3A_77, %broadcast_in_dim3A_80, %broadcast_in_dim3A_81 : vector<16xi1>, vector<16xf32>
      %mul3A_83 = arith.constant 16 : i32
      %mul3A_84 = arith.muli %add3A_11, %mul3A_83 : i32
      %swap3A_85 = arith.constant 4 : i32
      %swap3A_86 = arith.index_cast %swap3A_85 : i32 to index
      %swap3A_87 = arith.index_cast %mul3A_84 : i32 to index
      %swap3A_88 = tpu.vector_load %arg5[%swap3A_86, %swap3A_87] {strides = array<i32>} : memref<64x512xf32, #tpu.memory_space<vmem>>, vector<1x16xf32>,
      %swap3A_89 = vector.shape_cast %swap3A_88 : vector<1x16xf32> to vector<16xf32>
      %swap3A_90 = vector.shape_cast %select_n3A_82 : vector<16xf32> to vector<1x16xf32>
      tpu.vector_store %arg5[%swap3A_86, %swap3A_87], %swap3A_90 {strides = array<i32>} : memref<64x512xf32, #tpu.memory_space<vmem>>, vector<1x16xf32>,
      %eq3A_91 = arith.constant 5 : i32
      %eq3A_92 = vector.broadcast %eq3A_91 : i32 to vector<16xi32>
      %eq3A_93 = arith.cmpi eq, %get3A_15, %eq3A_92 : vector<16xi32>
      %jit3A_94 = arith.constant 1.000000e+00 : f32
      %jit3A_95 = arith.constant 0.000000e+00 : f32
      %broadcast_in_dim3A_96 = vector.broadcast %jit3A_94 : f32 to vector<16xf32>
      %broadcast_in_dim3A_97 = vector.broadcast %jit3A_95 : f32 to vector<16xf32>
      %select_n3A_98 = arith.select %eq3A_93, %broadcast_in_dim3A_96, %broadcast_in_dim3A_97 : vector<16xi1>, vector<16xf32>
      %mul3A_99 = arith.constant 16 : i32
      %mul3A_100 = arith.muli %add3A_11, %mul3A_99 : i32
      %swap3A_101 = arith.constant 5 : i32
      %swap3A_102 = arith.index_cast %swap3A_101 : i32 to index
      %swap3A_103 = arith.index_cast %mul3A_100 : i32 to index
      %swap3A_104 = tpu.vector_load %arg5[%swap3A_102, %swap3A_103] {strides = array<i32>} : memref<64x512xf32, #tpu.memory_space<vmem>>, vector<1x16xf32>,
      %swap3A_105 = vector.shape_cast %swap3A_104 : vector<1x16xf32> to vector<16xf32>
      %swap3A_106 = vector.shape_cast %select_n3A_98 : vector<16xf32> to vector<1x16xf32>
      tpu.vector_store %arg5[%swap3A_102, %swap3A_103], %swap3A_106 {strides = array<i32>} : memref<64x512xf32, #tpu.memory_space<vmem>>, vector<1x16xf32>,
      %eq3A_107 = arith.constant 6 : i32
      %eq3A_108 = vector.broadcast %eq3A_107 : i32 to vector<16xi32>
      %eq3A_109 = arith.cmpi eq, %get3A_15, %eq3A_108 : vector<16xi32>
      %jit3A_110 = arith.constant 1.000000e+00 : f32
      %jit3A_111 = arith.constant 0.000000e+00 : f32
      %broadcast_in_dim3A_112 = vector.broadcast %jit3A_110 : f32 to vector<16xf32>
      %broadcast_in_dim3A_113 = vector.broadcast %jit3A_111 : f32 to vector<16xf32>
      %select_n3A_114 = arith.select %eq3A_109, %broadcast_in_dim3A_112, %broadcast_in_dim3A_113 : vector<16xi1>, vector<16xf32>
      %mul3A_115 = arith.constant 16 : i32
      %mul3A_116 = arith.muli %add3A_11, %mul3A_115 : i32
      %swap3A_117 = arith.constant 6 : i32
      %swap3A_118 = arith.index_cast %swap3A_117 : i32 to index
      %swap3A_119 = arith.index_cast %mul3A_116 : i32 to index
      %swap3A_120 = tpu.vector_load %arg5[%swap3A_118, %swap3A_119] {strides = array<i32>} : memref<64x512xf32, #tpu.memory_space<vmem>>, vector<1x16xf32>,
      %swap3A_121 = vector.shape_cast %swap3A_120 : vector<1x16xf32> to vector<16xf32>
      %swap3A_122 = vector.shape_cast %select_n3A_114 : vector<16xf32> to vector<1x16xf32>
      tpu.vector_store %arg5[%swap3A_118, %swap3A_119], %swap3A_122 {strides = array<i32>} : memref<64x512xf32, #tpu.memory_space<vmem>>, vector<1x16xf32>,
      %eq3A_123 = arith.constant 7 : i32
      %eq3A_124 = vector.broadcast %eq3A_123 : i32 to vector<16xi32>
      %eq3A_125 = arith.cmpi eq, %get3A_15, %eq3A_124 : vector<16xi32>
      %jit3A_126 = arith.constant 1.000000e+00 : f32
      %jit3A_127 = arith.constant 0.000000e+00 : f32
      %broadcast_in_dim3A_128 = vector.broadcast %jit3A_126 : f32 to vector<16xf32>
      %broadcast_in_dim3A_129 = vector.broadcast %jit3A_127 : f32 to vector<16xf32>
      %select_n3A_130 = arith.select %eq3A_125, %broadcast_in_dim3A_128, %broadcast_in_dim3A_129 : vector<16xi1>, vector<16xf32>
      %mul3A_131 = arith.constant 16 : i32
      %mul3A_132 = arith.muli %add3A_11, %mul3A_131 : i32
      %swap3A_133 = arith.constant 7 : i32
      %swap3A_134 = arith.index_cast %swap3A_133 : i32 to index
      %swap3A_135 = arith.index_cast %mul3A_132 : i32 to index
      %swap3A_136 = tpu.vector_load %arg5[%swap3A_134, %swap3A_135] {strides = array<i32>} : memref<64x512xf32, #tpu.memory_space<vmem>>, vector<1x16xf32>,
      %swap3A_137 = vector.shape_cast %swap3A_136 : vector<1x16xf32> to vector<16xf32>
      %swap3A_138 = vector.shape_cast %select_n3A_130 : vector<16xf32> to vector<1x16xf32>
      tpu.vector_store %arg5[%swap3A_134, %swap3A_135], %swap3A_138 {strides = array<i32>} : memref<64x512xf32, #tpu.memory_space<vmem>>, vector<1x16xf32>,
      %eq3A_139 = arith.constant 8 : i32
      %eq3A_140 = vector.broadcast %eq3A_139 : i32 to vector<16xi32>
      %eq3A_141 = arith.cmpi eq, %get3A_15, %eq3A_140 : vector<16xi32>
      %jit3A_142 = arith.constant 1.000000e+00 : f32
      %jit3A_143 = arith.constant 0.000000e+00 : f32
      %broadcast_in_dim3A_144 = vector.broadcast %jit3A_142 : f32 to vector<16xf32>
      %broadcast_in_dim3A_145 = vector.broadcast %jit3A_143 : f32 to vector<16xf32>
      %select_n3A_146 = arith.select %eq3A_141, %broadcast_in_dim3A_144, %broadcast_in_dim3A_145 : vector<16xi1>, vector<16xf32>
      %mul3A_147 = arith.constant 16 : i32
      %mul3A_148 = arith.muli %add3A_11, %mul3A_147 : i32
      %swap3A_149 = arith.constant 8 : i32
      %swap3A_150 = arith.index_cast %swap3A_149 : i32 to index
      %swap3A_151 = arith.index_cast %mul3A_148 : i32 to index
      %swap3A_152 = tpu.vector_load %arg5[%swap3A_150, %swap3A_151] {strides = array<i32>} : memref<64x512xf32, #tpu.memory_space<vmem>>, vector<1x16xf32>,
      %swap3A_153 = vector.shape_cast %swap3A_152 : vector<1x16xf32> to vector<16xf32>
      %swap3A_154 = vector.shape_cast %select_n3A_146 : vector<16xf32> to vector<1x16xf32>
      tpu.vector_store %arg5[%swap3A_150, %swap3A_151], %swap3A_154 {strides = array<i32>} : memref<64x512xf32, #tpu.memory_space<vmem>>, vector<1x16xf32>,
      %eq3A_155 = arith.constant 9 : i32
      %eq3A_156 = vector.broadcast %eq3A_155 : i32 to vector<16xi32>
      %eq3A_157 = arith.cmpi eq, %get3A_15, %eq3A_156 : vector<16xi32>
      %jit3A_158 = arith.constant 1.000000e+00 : f32
      %jit3A_159 = arith.constant 0.000000e+00 : f32
      %broadcast_in_dim3A_160 = vector.broadcast %jit3A_158 : f32 to vector<16xf32>
      %broadcast_in_dim3A_161 = vector.broadcast %jit3A_159 : f32 to vector<16xf32>
      %select_n3A_162 = arith.select %eq3A_157, %broadcast_in_dim3A_160, %broadcast_in_dim3A_161 : vector<16xi1>, vector<16xf32>
      %mul3A_163 = arith.constant 16 : i32
      %mul3A_164 = arith.muli %add3A_11, %mul3A_163 : i32
      %swap3A_165 = arith.constant 9 : i32
      %swap3A_166 = arith.index_cast %swap3A_165 : i32 to index
      %swap3A_167 = arith.index_cast %mul3A_164 : i32 to index
      %swap3A_168 = tpu.vector_load %arg5[%swap3A_166, %swap3A_167] {strides = array<i32>} : memref<64x512xf32, #tpu.memory_space<vmem>>, vector<1x16xf32>,
      %swap3A_169 = vector.shape_cast %swap3A_168 : vector<1x16xf32> to vector<16xf32>
      %swap3A_170 = vector.shape_cast %select_n3A_162 : vector<16xf32> to vector<1x16xf32>
      tpu.vector_store %arg5[%swap3A_166, %swap3A_167], %swap3A_170 {strides = array<i32>} : memref<64x512xf32, #tpu.memory_space<vmem>>, vector<1x16xf32>,
      %eq3A_171 = arith.constant 10 : i32
      %eq3A_172 = vector.broadcast %eq3A_171 : i32 to vector<16xi32>
      %eq3A_173 = arith.cmpi eq, %get3A_15, %eq3A_172 : vector<16xi32>
      %jit3A_174 = arith.constant 1.000000e+00 : f32
      %jit3A_175 = arith.constant 0.000000e+00 : f32
      %broadcast_in_dim3A_176 = vector.broadcast %jit3A_174 : f32 to vector<16xf32>
      %broadcast_in_dim3A_177 = vector.broadcast %jit3A_175 : f32 to vector<16xf32>
      %select_n3A_178 = arith.select %eq3A_173, %broadcast_in_dim3A_176, %broadcast_in_dim3A_177 : vector<16xi1>, vector<16xf32>
      %mul3A_179 = arith.constant 16 : i32
      %mul3A_180 = arith.muli %add3A_11, %mul3A_179 : i32
      %swap3A_181 = arith.constant 10 : i32
      %swap3A_182 = arith.index_cast %swap3A_181 : i32 to index
      %swap3A_183 = arith.index_cast %mul3A_180 : i32 to index
      %swap3A_184 = tpu.vector_load %arg5[%swap3A_182, %swap3A_183] {strides = array<i32>} : memref<64x512xf32, #tpu.memory_space<vmem>>, vector<1x16xf32>,
      %swap3A_185 = vector.shape_cast %swap3A_184 : vector<1x16xf32> to vector<16xf32>
      %swap3A_186 = vector.shape_cast %select_n3A_178 : vector<16xf32> to vector<1x16xf32>
      tpu.vector_store %arg5[%swap3A_182, %swap3A_183], %swap3A_186 {strides = array<i32>} : memref<64x512xf32, #tpu.memory_space<vmem>>, vector<1x16xf32>,
      %eq3A_187 = arith.constant 11 : i32
      %eq3A_188 = vector.broadcast %eq3A_187 : i32 to vector<16xi32>
      %eq3A_189 = arith.cmpi eq, %get3A_15, %eq3A_188 : vector<16xi32>
      %jit3A_190 = arith.constant 1.000000e+00 : f32
      %jit3A_191 = arith.constant 0.000000e+00 : f32
      %broadcast_in_dim3A_192 = vector.broadcast %jit3A_190 : f32 to vector<16xf32>
      %broadcast_in_dim3A_193 = vector.broadcast %jit3A_191 : f32 to vector<16xf32>
      %select_n3A_194 = arith.select %eq3A_189, %broadcast_in_dim3A_192, %broadcast_in_dim3A_193 : vector<16xi1>, vector<16xf32>
      %mul3A_195 = arith.constant 16 : i32
      %mul3A_196 = arith.muli %add3A_11, %mul3A_195 : i32
      %swap3A_197 = arith.constant 11 : i32
      %swap3A_198 = arith.index_cast %swap3A_197 : i32 to index
      %swap3A_199 = arith.index_cast %mul3A_196 : i32 to index
      %swap3A_200 = tpu.vector_load %arg5[%swap3A_198, %swap3A_199] {strides = array<i32>} : memref<64x512xf32, #tpu.memory_space<vmem>>, vector<1x16xf32>,
      %swap3A_201 = vector.shape_cast %swap3A_200 : vector<1x16xf32> to vector<16xf32>
      %swap3A_202 = vector.shape_cast %select_n3A_194 : vector<16xf32> to vector<1x16xf32>
      tpu.vector_store %arg5[%swap3A_198, %swap3A_199], %swap3A_202 {strides = array<i32>} : memref<64x512xf32, #tpu.memory_space<vmem>>, vector<1x16xf32>,
      %eq3A_203 = arith.constant 12 : i32
      %eq3A_204 = vector.broadcast %eq3A_203 : i32 to vector<16xi32>
      %eq3A_205 = arith.cmpi eq, %get3A_15, %eq3A_204 : vector<16xi32>
      %jit3A_206 = arith.constant 1.000000e+00 : f32
      %jit3A_207 = arith.constant 0.000000e+00 : f32
      %broadcast_in_dim3A_208 = vector.broadcast %jit3A_206 : f32 to vector<16xf32>
      %broadcast_in_dim3A_209 = vector.broadcast %jit3A_207 : f32 to vector<16xf32>
      %select_n3A_210 = arith.select %eq3A_205, %broadcast_in_dim3A_208, %broadcast_in_dim3A_209 : vector<16xi1>, vector<16xf32>
      %mul3A_211 = arith.constant 16 : i32
      %mul3A_212 = arith.muli %add3A_11, %mul3A_211 : i32
      %swap3A_213 = arith.constant 12 : i32
      %swap3A_214 = arith.index_cast %swap3A_213 : i32 to index
      %swap3A_215 = arith.index_cast %mul3A_212 : i32 to index
      %swap3A_216 = tpu.vector_load %arg5[%swap3A_214, %swap3A_215] {strides = array<i32>} : memref<64x512xf32, #tpu.memory_space<vmem>>, vector<1x16xf32>,
      %swap3A_217 = vector.shape_cast %swap3A_216 : vector<1x16xf32> to vector<16xf32>
      %swap3A_218 = vector.shape_cast %select_n3A_210 : vector<16xf32> to vector<1x16xf32>
      tpu.vector_store %arg5[%swap3A_214, %swap3A_215], %swap3A_218 {strides = array<i32>} : memref<64x512xf32, #tpu.memory_space<vmem>>, vector<1x16xf32>,
      %eq3A_219 = arith.constant 13 : i32
      %eq3A_220 = vector.broadcast %eq3A_219 : i32 to vector<16xi32>
      %eq3A_221 = arith.cmpi eq, %get3A_15, %eq3A_220 : vector<16xi32>
      %jit3A_222 = arith.constant 1.000000e+00 : f32
      %jit3A_223 = arith.constant 0.000000e+00 : f32
      %broadcast_in_dim3A_224 = vector.broadcast %jit3A_222 : f32 to vector<16xf32>
      %broadcast_in_dim3A_225 = vector.broadcast %jit3A_223 : f32 to vector<16xf32>
      %select_n3A_226 = arith.select %eq3A_221, %broadcast_in_dim3A_224, %broadcast_in_dim3A_225 : vector<16xi1>, vector<16xf32>
      %mul3A_227 = arith.constant 16 : i32
      %mul3A_228 = arith.muli %add3A_11, %mul3A_227 : i32
      %swap3A_229 = arith.constant 13 : i32
      %swap3A_230 = arith.index_cast %swap3A_229 : i32 to index
      %swap3A_231 = arith.index_cast %mul3A_228 : i32 to index
      %swap3A_232 = tpu.vector_load %arg5[%swap3A_230, %swap3A_231] {strides = array<i32>} : memref<64x512xf32, #tpu.memory_space<vmem>>, vector<1x16xf32>,
      %swap3A_233 = vector.shape_cast %swap3A_232 : vector<1x16xf32> to vector<16xf32>
      %swap3A_234 = vector.shape_cast %select_n3A_226 : vector<16xf32> to vector<1x16xf32>
      tpu.vector_store %arg5[%swap3A_230, %swap3A_231], %swap3A_234 {strides = array<i32>} : memref<64x512xf32, #tpu.memory_space<vmem>>, vector<1x16xf32>,
      %eq3A_235 = arith.constant 14 : i32
      %eq3A_236 = vector.broadcast %eq3A_235 : i32 to vector<16xi32>
      %eq3A_237 = arith.cmpi eq, %get3A_15, %eq3A_236 : vector<16xi32>
      %jit3A_238 = arith.constant 1.000000e+00 : f32
      %jit3A_239 = arith.constant 0.000000e+00 : f32
      %broadcast_in_dim3A_240 = vector.broadcast %jit3A_238 : f32 to vector<16xf32>
      %broadcast_in_dim3A_241 = vector.broadcast %jit3A_239 : f32 to vector<16xf32>
      %select_n3A_242 = arith.select %eq3A_237, %broadcast_in_dim3A_240, %broadcast_in_dim3A_241 : vector<16xi1>, vector<16xf32>
      %mul3A_243 = arith.constant 16 : i32
      %mul3A_244 = arith.muli %add3A_11, %mul3A_243 : i32
      %swap3A_245 = arith.constant 14 : i32
      %swap3A_246 = arith.index_cast %swap3A_245 : i32 to index
      %swap3A_247 = arith.index_cast %mul3A_244 : i32 to index
      %swap3A_248 = tpu.vector_load %arg5[%swap3A_246, %swap3A_247] {strides = array<i32>} : memref<64x512xf32, #tpu.memory_space<vmem>>, vector<1x16xf32>,
      %swap3A_249 = vector.shape_cast %swap3A_248 : vector<1x16xf32> to vector<16xf32>
      %swap3A_250 = vector.shape_cast %select_n3A_242 : vector<16xf32> to vector<1x16xf32>
      tpu.vector_store %arg5[%swap3A_246, %swap3A_247], %swap3A_250 {strides = array<i32>} : memref<64x512xf32, #tpu.memory_space<vmem>>, vector<1x16xf32>,
      %eq3A_251 = arith.constant 15 : i32
      %eq3A_252 = vector.broadcast %eq3A_251 : i32 to vector<16xi32>
      %eq3A_253 = arith.cmpi eq, %get3A_15, %eq3A_252 : vector<16xi32>
      %jit3A_254 = arith.constant 1.000000e+00 : f32
      %jit3A_255 = arith.constant 0.000000e+00 : f32
      %broadcast_in_dim3A_256 = vector.broadcast %jit3A_254 : f32 to vector<16xf32>
      %broadcast_in_dim3A_257 = vector.broadcast %jit3A_255 : f32 to vector<16xf32>
      %select_n3A_258 = arith.select %eq3A_253, %broadcast_in_dim3A_256, %broadcast_in_dim3A_257 : vector<16xi1>, vector<16xf32>
      %mul3A_259 = arith.constant 16 : i32
      %mul3A_260 = arith.muli %add3A_11, %mul3A_259 : i32
      %swap3A_261 = arith.constant 15 : i32
      %swap3A_262 = arith.index_cast %swap3A_261 : i32 to index
      %swap3A_263 = arith.index_cast %mul3A_260 : i32 to index
      %swap3A_264 = tpu.vector_load %arg5[%swap3A_262, %swap3A_263] {strides = array<i32>} : memref<64x512xf32, #tpu.memory_space<vmem>>, vector<1x16xf32>,
      %swap3A_265 = vector.shape_cast %swap3A_264 : vector<1x16xf32> to vector<16xf32>
      %swap3A_266 = vector.shape_cast %select_n3A_258 : vector<16xf32> to vector<1x16xf32>
      tpu.vector_store %arg5[%swap3A_262, %swap3A_263], %swap3A_266 {strides = array<i32>} : memref<64x512xf32, #tpu.memory_space<vmem>>, vector<1x16xf32>,
      %eq3A_267 = arith.constant 16 : i32
      %eq3A_268 = vector.broadcast %eq3A_267 : i32 to vector<16xi32>
      %eq3A_269 = arith.cmpi eq, %get3A_15, %eq3A_268 : vector<16xi32>
      %jit3A_270 = arith.constant 1.000000e+00 : f32
      %jit3A_271 = arith.constant 0.000000e+00 : f32
      %broadcast_in_dim3A_272 = vector.broadcast %jit3A_270 : f32 to vector<16xf32>
      %broadcast_in_dim3A_273 = vector.broadcast %jit3A_271 : f32 to vector<16xf32>
      %select_n3A_274 = arith.select %eq3A_269, %broadcast_in_dim3A_272, %broadcast_in_dim3A_273 : vector<16xi1>, vector<16xf32>
      %mul3A_275 = arith.constant 16 : i32
      %mul3A_276 = arith.muli %add3A_11, %mul3A_275 : i32
      %swap3A_277 = arith.constant 16 : i32
      %swap3A_278 = arith.index_cast %swap3A_277 : i32 to index
      %swap3A_279 = arith.index_cast %mul3A_276 : i32 to index
      %swap3A_280 = tpu.vector_load %arg5[%swap3A_278, %swap3A_279] {strides = array<i32>} : memref<64x512xf32, #tpu.memory_space<vmem>>, vector<1x16xf32>,
      %swap3A_281 = vector.shape_cast %swap3A_280 : vector<1x16xf32> to vector<16xf32>
      %swap3A_282 = vector.shape_cast %select_n3A_274 : vector<16xf32> to vector<1x16xf32>
      tpu.vector_store %arg5[%swap3A_278, %swap3A_279], %swap3A_282 {strides = array<i32>} : memref<64x512xf32, #tpu.memory_space<vmem>>, vector<1x16xf32>,
      %eq3A_283 = arith.constant 17 : i32
      %eq3A_284 = vector.broadcast %eq3A_283 : i32 to vector<16xi32>
      %eq3A_285 = arith.cmpi eq, %get3A_15, %eq3A_284 : vector<16xi32>
      %jit3A_286 = arith.constant 1.000000e+00 : f32
      %jit3A_287 = arith.constant 0.000000e+00 : f32
      %broadcast_in_dim3A_288 = vector.broadcast %jit3A_286 : f32 to vector<16xf32>
      %broadcast_in_dim3A_289 = vector.broadcast %jit3A_287 : f32 to vector<16xf32>
      %select_n3A_290 = arith.select %eq3A_285, %broadcast_in_dim3A_288, %broadcast_in_dim3A_289 : vector<16xi1>, vector<16xf32>
      %mul3A_291 = arith.constant 16 : i32
      %mul3A_292 = arith.muli %add3A_11, %mul3A_291 : i32
      %swap3A_293 = arith.constant 17 : i32
      %swap3A_294 = arith.index_cast %swap3A_293 : i32 to index
      %swap3A_295 = arith.index_cast %mul3A_292 : i32 to index
      %swap3A_296 = tpu.vector_load %arg5[%swap3A_294, %swap3A_295] {strides = array<i32>} : memref<64x512xf32, #tpu.memory_space<vmem>>, vector<1x16xf32>,
      %swap3A_297 = vector.shape_cast %swap3A_296 : vector<1x16xf32> to vector<16xf32>
      %swap3A_298 = vector.shape_cast %select_n3A_290 : vector<16xf32> to vector<1x16xf32>
      tpu.vector_store %arg5[%swap3A_294, %swap3A_295], %swap3A_298 {strides = array<i32>} : memref<64x512xf32, #tpu.memory_space<vmem>>, vector<1x16xf32>,
      %eq3A_299 = arith.constant 18 : i32
      %eq3A_300 = vector.broadcast %eq3A_299 : i32 to vector<16xi32>
      %eq3A_301 = arith.cmpi eq, %get3A_15, %eq3A_300 : vector<16xi32>
      %jit3A_302 = arith.constant 1.000000e+00 : f32
      %jit3A_303 = arith.constant 0.000000e+00 : f32
      %broadcast_in_dim3A_304 = vector.broadcast %jit3A_302 : f32 to vector<16xf32>
      %broadcast_in_dim3A_305 = vector.broadcast %jit3A_303 : f32 to vector<16xf32>
      %select_n3A_306 = arith.select %eq3A_301, %broadcast_in_dim3A_304, %broadcast_in_dim3A_305 : vector<16xi1>, vector<16xf32>
      %mul3A_307 = arith.constant 16 : i32
      %mul3A_308 = arith.muli %add3A_11, %mul3A_307 : i32
      %swap3A_309 = arith.constant 18 : i32
      %swap3A_310 = arith.index_cast %swap3A_309 : i32 to index
      %swap3A_311 = arith.index_cast %mul3A_308 : i32 to index
      %swap3A_312 = tpu.vector_load %arg5[%swap3A_310, %swap3A_311] {strides = array<i32>} : memref<64x512xf32, #tpu.memory_space<vmem>>, vector<1x16xf32>,
      %swap3A_313 = vector.shape_cast %swap3A_312 : vector<1x16xf32> to vector<16xf32>
      %swap3A_314 = vector.shape_cast %select_n3A_306 : vector<16xf32> to vector<1x16xf32>
      tpu.vector_store %arg5[%swap3A_310, %swap3A_311], %swap3A_314 {strides = array<i32>} : memref<64x512xf32, #tpu.memory_space<vmem>>, vector<1x16xf32>,
      %eq3A_315 = arith.constant 19 : i32
      %eq3A_316 = vector.broadcast %eq3A_315 : i32 to vector<16xi32>
      %eq3A_317 = arith.cmpi eq, %get3A_15, %eq3A_316 : vector<16xi32>
      %jit3A_318 = arith.constant 1.000000e+00 : f32
      %jit3A_319 = arith.constant 0.000000e+00 : f32
      %broadcast_in_dim3A_320 = vector.broadcast %jit3A_318 : f32 to vector<16xf32>
      %broadcast_in_dim3A_321 = vector.broadcast %jit3A_319 : f32 to vector<16xf32>
      %select_n3A_322 = arith.select %eq3A_317, %broadcast_in_dim3A_320, %broadcast_in_dim3A_321 : vector<16xi1>, vector<16xf32>
      %mul3A_323 = arith.constant 16 : i32
      %mul3A_324 = arith.muli %add3A_11, %mul3A_323 : i32
      %swap3A_325 = arith.constant 19 : i32
      %swap3A_326 = arith.index_cast %swap3A_325 : i32 to index
      %swap3A_327 = arith.index_cast %mul3A_324 : i32 to index
      %swap3A_328 = tpu.vector_load %arg5[%swap3A_326, %swap3A_327] {strides = array<i32>} : memref<64x512xf32, #tpu.memory_space<vmem>>, vector<1x16xf32>,
      %swap3A_329 = vector.shape_cast %swap3A_328 : vector<1x16xf32> to vector<16xf32>
      %swap3A_330 = vector.shape_cast %select_n3A_322 : vector<16xf32> to vector<1x16xf32>
      tpu.vector_store %arg5[%swap3A_326, %swap3A_327], %swap3A_330 {strides = array<i32>} : memref<64x512xf32, #tpu.memory_space<vmem>>, vector<1x16xf32>,
      %eq3A_331 = arith.constant 20 : i32
      %eq3A_332 = vector.broadcast %eq3A_331 : i32 to vector<16xi32>
      %eq3A_333 = arith.cmpi eq, %get3A_15, %eq3A_332 : vector<16xi32>
      %jit3A_334 = arith.constant 1.000000e+00 : f32
      %jit3A_335 = arith.constant 0.000000e+00 : f32
      %broadcast_in_dim3A_336 = vector.broadcast %jit3A_334 : f32 to vector<16xf32>
      %broadcast_in_dim3A_337 = vector.broadcast %jit3A_335 : f32 to vector<16xf32>
      %select_n3A_338 = arith.select %eq3A_333, %broadcast_in_dim3A_336, %broadcast_in_dim3A_337 : vector<16xi1>, vector<16xf32>
      %mul3A_339 = arith.constant 16 : i32
      %mul3A_340 = arith.muli %add3A_11, %mul3A_339 : i32
      %swap3A_341 = arith.constant 20 : i32
      %swap3A_342 = arith.index_cast %swap3A_341 : i32 to index
      %swap3A_343 = arith.index_cast %mul3A_340 : i32 to index
      %swap3A_344 = tpu.vector_load %arg5[%swap3A_342, %swap3A_343] {strides = array<i32>} : memref<64x512xf32, #tpu.memory_space<vmem>>, vector<1x16xf32>,
      %swap3A_345 = vector.shape_cast %swap3A_344 : vector<1x16xf32> to vector<16xf32>
      %swap3A_346 = vector.shape_cast %select_n3A_338 : vector<16xf32> to vector<1x16xf32>
      tpu.vector_store %arg5[%swap3A_342, %swap3A_343], %swap3A_346 {strides = array<i32>} : memref<64x512xf32, #tpu.memory_space<vmem>>, vector<1x16xf32>,
      %eq3A_347 = arith.constant 21 : i32
      %eq3A_348 = vector.broadcast %eq3A_347 : i32 to vector<16xi32>
      %eq3A_349 = arith.cmpi eq, %get3A_15, %eq3A_348 : vector<16xi32>
      %jit3A_350 = arith.constant 1.000000e+00 : f32
      %jit3A_351 = arith.constant 0.000000e+00 : f32
      %broadcast_in_dim3A_352 = vector.broadcast %jit3A_350 : f32 to vector<16xf32>
      %broadcast_in_dim3A_353 = vector.broadcast %jit3A_351 : f32 to vector<16xf32>
      %select_n3A_354 = arith.select %eq3A_349, %broadcast_in_dim3A_352, %broadcast_in_dim3A_353 : vector<16xi1>, vector<16xf32>
      %mul3A_355 = arith.constant 16 : i32
      %mul3A_356 = arith.muli %add3A_11, %mul3A_355 : i32
      %swap3A_357 = arith.constant 21 : i32
      %swap3A_358 = arith.index_cast %swap3A_357 : i32 to index
      %swap3A_359 = arith.index_cast %mul3A_356 : i32 to index
      %swap3A_360 = tpu.vector_load %arg5[%swap3A_358, %swap3A_359] {strides = array<i32>} : memref<64x512xf32, #tpu.memory_space<vmem>>, vector<1x16xf32>,
      %swap3A_361 = vector.shape_cast %swap3A_360 : vector<1x16xf32> to vector<16xf32>
      %swap3A_362 = vector.shape_cast %select_n3A_354 : vector<16xf32> to vector<1x16xf32>
      tpu.vector_store %arg5[%swap3A_358, %swap3A_359], %swap3A_362 {strides = array<i32>} : memref<64x512xf32, #tpu.memory_space<vmem>>, vector<1x16xf32>,
      %eq3A_363 = arith.constant 22 : i32
      %eq3A_364 = vector.broadcast %eq3A_363 : i32 to vector<16xi32>
      %eq3A_365 = arith.cmpi eq, %get3A_15, %eq3A_364 : vector<16xi32>
      %jit3A_366 = arith.constant 1.000000e+00 : f32
      %jit3A_367 = arith.constant 0.000000e+00 : f32
      %broadcast_in_dim3A_368 = vector.broadcast %jit3A_366 : f32 to vector<16xf32>
      %broadcast_in_dim3A_369 = vector.broadcast %jit3A_367 : f32 to vector<16xf32>
      %select_n3A_370 = arith.select %eq3A_365, %broadcast_in_dim3A_368, %broadcast_in_dim3A_369 : vector<16xi1>, vector<16xf32>
      %mul3A_371 = arith.constant 16 : i32
      %mul3A_372 = arith.muli %add3A_11, %mul3A_371 : i32
      %swap3A_373 = arith.constant 22 : i32
      %swap3A_374 = arith.index_cast %swap3A_373 : i32 to index
      %swap3A_375 = arith.index_cast %mul3A_372 : i32 to index
      %swap3A_376 = tpu.vector_load %arg5[%swap3A_374, %swap3A_375] {strides = array<i32>} : memref<64x512xf32, #tpu.memory_space<vmem>>, vector<1x16xf32>,
      %swap3A_377 = vector.shape_cast %swap3A_376 : vector<1x16xf32> to vector<16xf32>
      %swap3A_378 = vector.shape_cast %select_n3A_370 : vector<16xf32> to vector<1x16xf32>
      tpu.vector_store %arg5[%swap3A_374, %swap3A_375], %swap3A_378 {strides = array<i32>} : memref<64x512xf32, #tpu.memory_space<vmem>>, vector<1x16xf32>,
      %eq3A_379 = arith.constant 23 : i32
      %eq3A_380 = vector.broadcast %eq3A_379 : i32 to vector<16xi32>
      %eq3A_381 = arith.cmpi eq, %get3A_15, %eq3A_380 : vector<16xi32>
      %jit3A_382 = arith.constant 1.000000e+00 : f32
      %jit3A_383 = arith.constant 0.000000e+00 : f32
      %broadcast_in_dim3A_384 = vector.broadcast %jit3A_382 : f32 to vector<16xf32>
      %broadcast_in_dim3A_385 = vector.broadcast %jit3A_383 : f32 to vector<16xf32>
      %select_n3A_386 = arith.select %eq3A_381, %broadcast_in_dim3A_384, %broadcast_in_dim3A_385 : vector<16xi1>, vector<16xf32>
      %mul3A_387 = arith.constant 16 : i32
      %mul3A_388 = arith.muli %add3A_11, %mul3A_387 : i32
      %swap3A_389 = arith.constant 23 : i32
      %swap3A_390 = arith.index_cast %swap3A_389 : i32 to index
      %swap3A_391 = arith.index_cast %mul3A_388 : i32 to index
      %swap3A_392 = tpu.vector_load %arg5[%swap3A_390, %swap3A_391] {strides = array<i32>} : memref<64x512xf32, #tpu.memory_space<vmem>>, vector<1x16xf32>,
      %swap3A_393 = vector.shape_cast %swap3A_392 : vector<1x16xf32> to vector<16xf32>
      %swap3A_394 = vector.shape_cast %select_n3A_386 : vector<16xf32> to vector<1x16xf32>
      tpu.vector_store %arg5[%swap3A_390, %swap3A_391], %swap3A_394 {strides = array<i32>} : memref<64x512xf32, #tpu.memory_space<vmem>>, vector<1x16xf32>,
      %eq3A_395 = arith.constant 24 : i32
      %eq3A_396 = vector.broadcast %eq3A_395 : i32 to vector<16xi32>
      %eq3A_397 = arith.cmpi eq, %get3A_15, %eq3A_396 : vector<16xi32>
      %jit3A_398 = arith.constant 1.000000e+00 : f32
      %jit3A_399 = arith.constant 0.000000e+00 : f32
      %broadcast_in_dim3A_400 = vector.broadcast %jit3A_398 : f32 to vector<16xf32>
      %broadcast_in_dim3A_401 = vector.broadcast %jit3A_399 : f32 to vector<16xf32>
      %select_n3A_402 = arith.select %eq3A_397, %broadcast_in_dim3A_400, %broadcast_in_dim3A_401 : vector<16xi1>, vector<16xf32>
      %mul3A_403 = arith.constant 16 : i32
      %mul3A_404 = arith.muli %add3A_11, %mul3A_403 : i32
      %swap3A_405 = arith.constant 24 : i32
      %swap3A_406 = arith.index_cast %swap3A_405 : i32 to index
      %swap3A_407 = arith.index_cast %mul3A_404 : i32 to index
      %swap3A_408 = tpu.vector_load %arg5[%swap3A_406, %swap3A_407] {strides = array<i32>} : memref<64x512xf32, #tpu.memory_space<vmem>>, vector<1x16xf32>,
      %swap3A_409 = vector.shape_cast %swap3A_408 : vector<1x16xf32> to vector<16xf32>
      %swap3A_410 = vector.shape_cast %select_n3A_402 : vector<16xf32> to vector<1x16xf32>
      tpu.vector_store %arg5[%swap3A_406, %swap3A_407], %swap3A_410 {strides = array<i32>} : memref<64x512xf32, #tpu.memory_space<vmem>>, vector<1x16xf32>,
      %eq3A_411 = arith.constant 25 : i32
      %eq3A_412 = vector.broadcast %eq3A_411 : i32 to vector<16xi32>
      %eq3A_413 = arith.cmpi eq, %get3A_15, %eq3A_412 : vector<16xi32>
      %jit3A_414 = arith.constant 1.000000e+00 : f32
      %jit3A_415 = arith.constant 0.000000e+00 : f32
      %broadcast_in_dim3A_416 = vector.broadcast %jit3A_414 : f32 to vector<16xf32>
      %broadcast_in_dim3A_417 = vector.broadcast %jit3A_415 : f32 to vector<16xf32>
      %select_n3A_418 = arith.select %eq3A_413, %broadcast_in_dim3A_416, %broadcast_in_dim3A_417 : vector<16xi1>, vector<16xf32>
      %mul3A_419 = arith.constant 16 : i32
      %mul3A_420 = arith.muli %add3A_11, %mul3A_419 : i32
      %swap3A_421 = arith.constant 25 : i32
      %swap3A_422 = arith.index_cast %swap3A_421 : i32 to index
      %swap3A_423 = arith.index_cast %mul3A_420 : i32 to index
      %swap3A_424 = tpu.vector_load %arg5[%swap3A_422, %swap3A_423] {strides = array<i32>} : memref<64x512xf32, #tpu.memory_space<vmem>>, vector<1x16xf32>,
      %swap3A_425 = vector.shape_cast %swap3A_424 : vector<1x16xf32> to vector<16xf32>
      %swap3A_426 = vector.shape_cast %select_n3A_418 : vector<16xf32> to vector<1x16xf32>
      tpu.vector_store %arg5[%swap3A_422, %swap3A_423], %swap3A_426 {strides = array<i32>} : memref<64x512xf32, #tpu.memory_space<vmem>>, vector<1x16xf32>,
      %eq3A_427 = arith.constant 26 : i32
      %eq3A_428 = vector.broadcast %eq3A_427 : i32 to vector<16xi32>
      %eq3A_429 = arith.cmpi eq, %get3A_15, %eq3A_428 : vector<16xi32>
      %jit3A_430 = arith.constant 1.000000e+00 : f32
      %jit3A_431 = arith.constant 0.000000e+00 : f32
      %broadcast_in_dim3A_432 = vector.broadcast %jit3A_430 : f32 to vector<16xf32>
      %broadcast_in_dim3A_433 = vector.broadcast %jit3A_431 : f32 to vector<16xf32>
      %select_n3A_434 = arith.select %eq3A_429, %broadcast_in_dim3A_432, %broadcast_in_dim3A_433 : vector<16xi1>, vector<16xf32>
      %mul3A_435 = arith.constant 16 : i32
      %mul3A_436 = arith.muli %add3A_11, %mul3A_435 : i32
      %swap3A_437 = arith.constant 26 : i32
      %swap3A_438 = arith.index_cast %swap3A_437 : i32 to index
      %swap3A_439 = arith.index_cast %mul3A_436 : i32 to index
      %swap3A_440 = tpu.vector_load %arg5[%swap3A_438, %swap3A_439] {strides = array<i32>} : memref<64x512xf32, #tpu.memory_space<vmem>>, vector<1x16xf32>,
      %swap3A_441 = vector.shape_cast %swap3A_440 : vector<1x16xf32> to vector<16xf32>
      %swap3A_442 = vector.shape_cast %select_n3A_434 : vector<16xf32> to vector<1x16xf32>
      tpu.vector_store %arg5[%swap3A_438, %swap3A_439], %swap3A_442 {strides = array<i32>} : memref<64x512xf32, #tpu.memory_space<vmem>>, vector<1x16xf32>,
      %eq3A_443 = arith.constant 27 : i32
      %eq3A_444 = vector.broadcast %eq3A_443 : i32 to vector<16xi32>
      %eq3A_445 = arith.cmpi eq, %get3A_15, %eq3A_444 : vector<16xi32>
      %jit3A_446 = arith.constant 1.000000e+00 : f32
      %jit3A_447 = arith.constant 0.000000e+00 : f32
      %broadcast_in_dim3A_448 = vector.broadcast %jit3A_446 : f32 to vector<16xf32>
      %broadcast_in_dim3A_449 = vector.broadcast %jit3A_447 : f32 to vector<16xf32>
      %select_n3A_450 = arith.select %eq3A_445, %broadcast_in_dim3A_448, %broadcast_in_dim3A_449 : vector<16xi1>, vector<16xf32>
      %mul3A_451 = arith.constant 16 : i32
      %mul3A_452 = arith.muli %add3A_11, %mul3A_451 : i32
      %swap3A_453 = arith.constant 27 : i32
      %swap3A_454 = arith.index_cast %swap3A_453 : i32 to index
      %swap3A_455 = arith.index_cast %mul3A_452 : i32 to index
      %swap3A_456 = tpu.vector_load %arg5[%swap3A_454, %swap3A_455] {strides = array<i32>} : memref<64x512xf32, #tpu.memory_space<vmem>>, vector<1x16xf32>,
      %swap3A_457 = vector.shape_cast %swap3A_456 : vector<1x16xf32> to vector<16xf32>
      %swap3A_458 = vector.shape_cast %select_n3A_450 : vector<16xf32> to vector<1x16xf32>
      tpu.vector_store %arg5[%swap3A_454, %swap3A_455], %swap3A_458 {strides = array<i32>} : memref<64x512xf32, #tpu.memory_space<vmem>>, vector<1x16xf32>,
      %eq3A_459 = arith.constant 28 : i32
      %eq3A_460 = vector.broadcast %eq3A_459 : i32 to vector<16xi32>
      %eq3A_461 = arith.cmpi eq, %get3A_15, %eq3A_460 : vector<16xi32>
      %jit3A_462 = arith.constant 1.000000e+00 : f32
      %jit3A_463 = arith.constant 0.000000e+00 : f32
      %broadcast_in_dim3A_464 = vector.broadcast %jit3A_462 : f32 to vector<16xf32>
      %broadcast_in_dim3A_465 = vector.broadcast %jit3A_463 : f32 to vector<16xf32>
      %select_n3A_466 = arith.select %eq3A_461, %broadcast_in_dim3A_464, %broadcast_in_dim3A_465 : vector<16xi1>, vector<16xf32>
      %mul3A_467 = arith.constant 16 : i32
      %mul3A_468 = arith.muli %add3A_11, %mul3A_467 : i32
      %swap3A_469 = arith.constant 28 : i32
      %swap3A_470 = arith.index_cast %swap3A_469 : i32 to index
      %swap3A_471 = arith.index_cast %mul3A_468 : i32 to index
      %swap3A_472 = tpu.vector_load %arg5[%swap3A_470, %swap3A_471] {strides = array<i32>} : memref<64x512xf32, #tpu.memory_space<vmem>>, vector<1x16xf32>,
      %swap3A_473 = vector.shape_cast %swap3A_472 : vector<1x16xf32> to vector<16xf32>
      %swap3A_474 = vector.shape_cast %select_n3A_466 : vector<16xf32> to vector<1x16xf32>
      tpu.vector_store %arg5[%swap3A_470, %swap3A_471], %swap3A_474 {strides = array<i32>} : memref<64x512xf32, #tpu.memory_space<vmem>>, vector<1x16xf32>,
      %eq3A_475 = arith.constant 29 : i32
      %eq3A_476 = vector.broadcast %eq3A_475 : i32 to vector<16xi32>
      %eq3A_477 = arith.cmpi eq, %get3A_15, %eq3A_476 : vector<16xi32>
      %jit3A_478 = arith.constant 1.000000e+00 : f32
      %jit3A_479 = arith.constant 0.000000e+00 : f32
      %broadcast_in_dim3A_480 = vector.broadcast %jit3A_478 : f32 to vector<16xf32>
      %broadcast_in_dim3A_481 = vector.broadcast %jit3A_479 : f32 to vector<16xf32>
      %select_n3A_482 = arith.select %eq3A_477, %broadcast_in_dim3A_480, %broadcast_in_dim3A_481 : vector<16xi1>, vector<16xf32>
      %mul3A_483 = arith.constant 16 : i32
      %mul3A_484 = arith.muli %add3A_11, %mul3A_483 : i32
      %swap3A_485 = arith.constant 29 : i32
      %swap3A_486 = arith.index_cast %swap3A_485 : i32 to index
      %swap3A_487 = arith.index_cast %mul3A_484 : i32 to index
      %swap3A_488 = tpu.vector_load %arg5[%swap3A_486, %swap3A_487] {strides = array<i32>} : memref<64x512xf32, #tpu.memory_space<vmem>>, vector<1x16xf32>,
      %swap3A_489 = vector.shape_cast %swap3A_488 : vector<1x16xf32> to vector<16xf32>
      %swap3A_490 = vector.shape_cast %select_n3A_482 : vector<16xf32> to vector<1x16xf32>
      tpu.vector_store %arg5[%swap3A_486, %swap3A_487], %swap3A_490 {strides = array<i32>} : memref<64x512xf32, #tpu.memory_space<vmem>>, vector<1x16xf32>,
      %eq3A_491 = arith.constant 30 : i32
      %eq3A_492 = vector.broadcast %eq3A_491 : i32 to vector<16xi32>
      %eq3A_493 = arith.cmpi eq, %get3A_15, %eq3A_492 : vector<16xi32>
      %jit3A_494 = arith.constant 1.000000e+00 : f32
      %jit3A_495 = arith.constant 0.000000e+00 : f32
      %broadcast_in_dim3A_496 = vector.broadcast %jit3A_494 : f32 to vector<16xf32>
      %broadcast_in_dim3A_497 = vector.broadcast %jit3A_495 : f32 to vector<16xf32>
      %select_n3A_498 = arith.select %eq3A_493, %broadcast_in_dim3A_496, %broadcast_in_dim3A_497 : vector<16xi1>, vector<16xf32>
      %mul3A_499 = arith.constant 16 : i32
      %mul3A_500 = arith.muli %add3A_11, %mul3A_499 : i32
      %swap3A_501 = arith.constant 30 : i32
      %swap3A_502 = arith.index_cast %swap3A_501 : i32 to index
      %swap3A_503 = arith.index_cast %mul3A_500 : i32 to index
      %swap3A_504 = tpu.vector_load %arg5[%swap3A_502, %swap3A_503] {strides = array<i32>} : memref<64x512xf32, #tpu.memory_space<vmem>>, vector<1x16xf32>,
      %swap3A_505 = vector.shape_cast %swap3A_504 : vector<1x16xf32> to vector<16xf32>
      %swap3A_506 = vector.shape_cast %select_n3A_498 : vector<16xf32> to vector<1x16xf32>
      tpu.vector_store %arg5[%swap3A_502, %swap3A_503], %swap3A_506 {strides = array<i32>} : memref<64x512xf32, #tpu.memory_space<vmem>>, vector<1x16xf32>,
      %eq3A_507 = arith.constant 31 : i32
      %eq3A_508 = vector.broadcast %eq3A_507 : i32 to vector<16xi32>
      %eq3A_509 = arith.cmpi eq, %get3A_15, %eq3A_508 : vector<16xi32>
      %jit3A_510 = arith.constant 1.000000e+00 : f32
      %jit3A_511 = arith.constant 0.000000e+00 : f32
      %broadcast_in_dim3A_512 = vector.broadcast %jit3A_510 : f32 to vector<16xf32>
      %broadcast_in_dim3A_513 = vector.broadcast %jit3A_511 : f32 to vector<16xf32>
      %select_n3A_514 = arith.select %eq3A_509, %broadcast_in_dim3A_512, %broadcast_in_dim3A_513 : vector<16xi1>, vector<16xf32>
      %mul3A_515 = arith.constant 16 : i32
      %mul3A_516 = arith.muli %add3A_11, %mul3A_515 : i32
      %swap3A_517 = arith.constant 31 : i32
      %swap3A_518 = arith.index_cast %swap3A_517 : i32 to index
      %swap3A_519 = arith.index_cast %mul3A_516 : i32 to index
      %swap3A_520 = tpu.vector_load %arg5[%swap3A_518, %swap3A_519] {strides = array<i32>} : memref<64x512xf32, #tpu.memory_space<vmem>>, vector<1x16xf32>,
      %swap3A_521 = vector.shape_cast %swap3A_520 : vector<1x16xf32> to vector<16xf32>
      %swap3A_522 = vector.shape_cast %select_n3A_514 : vector<16xf32> to vector<1x16xf32>
      tpu.vector_store %arg5[%swap3A_518, %swap3A_519], %swap3A_522 {strides = array<i32>} : memref<64x512xf32, #tpu.memory_space<vmem>>, vector<1x16xf32>,
      %eq3A_523 = arith.constant 32 : i32
      %eq3A_524 = vector.broadcast %eq3A_523 : i32 to vector<16xi32>
      %eq3A_525 = arith.cmpi eq, %get3A_15, %eq3A_524 : vector<16xi32>
      %jit3A_526 = arith.constant 1.000000e+00 : f32
      %jit3A_527 = arith.constant 0.000000e+00 : f32
      %broadcast_in_dim3A_528 = vector.broadcast %jit3A_526 : f32 to vector<16xf32>
      %broadcast_in_dim3A_529 = vector.broadcast %jit3A_527 : f32 to vector<16xf32>
      %select_n3A_530 = arith.select %eq3A_525, %broadcast_in_dim3A_528, %broadcast_in_dim3A_529 : vector<16xi1>, vector<16xf32>
      %mul3A_531 = arith.constant 16 : i32
      %mul3A_532 = arith.muli %add3A_11, %mul3A_531 : i32
      %swap3A_533 = arith.constant 32 : i32
      %swap3A_534 = arith.index_cast %swap3A_533 : i32 to index
      %swap3A_535 = arith.index_cast %mul3A_532 : i32 to index
      %swap3A_536 = tpu.vector_load %arg5[%swap3A_534, %swap3A_535] {strides = array<i32>} : memref<64x512xf32, #tpu.memory_space<vmem>>, vector<1x16xf32>,
      %swap3A_537 = vector.shape_cast %swap3A_536 : vector<1x16xf32> to vector<16xf32>
      %swap3A_538 = vector.shape_cast %select_n3A_530 : vector<16xf32> to vector<1x16xf32>
      tpu.vector_store %arg5[%swap3A_534, %swap3A_535], %swap3A_538 {strides = array<i32>} : memref<64x512xf32, #tpu.memory_space<vmem>>, vector<1x16xf32>,
      %eq3A_539 = arith.constant 33 : i32
      %eq3A_540 = vector.broadcast %eq3A_539 : i32 to vector<16xi32>
      %eq3A_541 = arith.cmpi eq, %get3A_15, %eq3A_540 : vector<16xi32>
      %jit3A_542 = arith.constant 1.000000e+00 : f32
      %jit3A_543 = arith.constant 0.000000e+00 : f32
      %broadcast_in_dim3A_544 = vector.broadcast %jit3A_542 : f32 to vector<16xf32>
      %broadcast_in_dim3A_545 = vector.broadcast %jit3A_543 : f32 to vector<16xf32>
      %select_n3A_546 = arith.select %eq3A_541, %broadcast_in_dim3A_544, %broadcast_in_dim3A_545 : vector<16xi1>, vector<16xf32>
      %mul3A_547 = arith.constant 16 : i32
      %mul3A_548 = arith.muli %add3A_11, %mul3A_547 : i32
      %swap3A_549 = arith.constant 33 : i32
      %swap3A_550 = arith.index_cast %swap3A_549 : i32 to index
      %swap3A_551 = arith.index_cast %mul3A_548 : i32 to index
      %swap3A_552 = tpu.vector_load %arg5[%swap3A_550, %swap3A_551] {strides = array<i32>} : memref<64x512xf32, #tpu.memory_space<vmem>>, vector<1x16xf32>,
      %swap3A_553 = vector.shape_cast %swap3A_552 : vector<1x16xf32> to vector<16xf32>
      %swap3A_554 = vector.shape_cast %select_n3A_546 : vector<16xf32> to vector<1x16xf32>
      tpu.vector_store %arg5[%swap3A_550, %swap3A_551], %swap3A_554 {strides = array<i32>} : memref<64x512xf32, #tpu.memory_space<vmem>>, vector<1x16xf32>,
      %eq3A_555 = arith.constant 34 : i32
      %eq3A_556 = vector.broadcast %eq3A_555 : i32 to vector<16xi32>
      %eq3A_557 = arith.cmpi eq, %get3A_15, %eq3A_556 : vector<16xi32>
      %jit3A_558 = arith.constant 1.000000e+00 : f32
      %jit3A_559 = arith.constant 0.000000e+00 : f32
      %broadcast_in_dim3A_560 = vector.broadcast %jit3A_558 : f32 to vector<16xf32>
      %broadcast_in_dim3A_561 = vector.broadcast %jit3A_559 : f32 to vector<16xf32>
      %select_n3A_562 = arith.select %eq3A_557, %broadcast_in_dim3A_560, %broadcast_in_dim3A_561 : vector<16xi1>, vector<16xf32>
      %mul3A_563 = arith.constant 16 : i32
      %mul3A_564 = arith.muli %add3A_11, %mul3A_563 : i32
      %swap3A_565 = arith.constant 34 : i32
      %swap3A_566 = arith.index_cast %swap3A_565 : i32 to index
      %swap3A_567 = arith.index_cast %mul3A_564 : i32 to index
      %swap3A_568 = tpu.vector_load %arg5[%swap3A_566, %swap3A_567] {strides = array<i32>} : memref<64x512xf32, #tpu.memory_space<vmem>>, vector<1x16xf32>,
      %swap3A_569 = vector.shape_cast %swap3A_568 : vector<1x16xf32> to vector<16xf32>
      %swap3A_570 = vector.shape_cast %select_n3A_562 : vector<16xf32> to vector<1x16xf32>
      tpu.vector_store %arg5[%swap3A_566, %swap3A_567], %swap3A_570 {strides = array<i32>} : memref<64x512xf32, #tpu.memory_space<vmem>>, vector<1x16xf32>,
      %eq3A_571 = arith.constant 35 : i32
      %eq3A_572 = vector.broadcast %eq3A_571 : i32 to vector<16xi32>
      %eq3A_573 = arith.cmpi eq, %get3A_15, %eq3A_572 : vector<16xi32>
      %jit3A_574 = arith.constant 1.000000e+00 : f32
      %jit3A_575 = arith.constant 0.000000e+00 : f32
      %broadcast_in_dim3A_576 = vector.broadcast %jit3A_574 : f32 to vector<16xf32>
      %broadcast_in_dim3A_577 = vector.broadcast %jit3A_575 : f32 to vector<16xf32>
      %select_n3A_578 = arith.select %eq3A_573, %broadcast_in_dim3A_576, %broadcast_in_dim3A_577 : vector<16xi1>, vector<16xf32>
      %mul3A_579 = arith.constant 16 : i32
      %mul3A_580 = arith.muli %add3A_11, %mul3A_579 : i32
      %swap3A_581 = arith.constant 35 : i32
      %swap3A_582 = arith.index_cast %swap3A_581 : i32 to index
      %swap3A_583 = arith.index_cast %mul3A_580 : i32 to index
      %swap3A_584 = tpu.vector_load %arg5[%swap3A_582, %swap3A_583] {strides = array<i32>} : memref<64x512xf32, #tpu.memory_space<vmem>>, vector<1x16xf32>,
      %swap3A_585 = vector.shape_cast %swap3A_584 : vector<1x16xf32> to vector<16xf32>
      %swap3A_586 = vector.shape_cast %select_n3A_578 : vector<16xf32> to vector<1x16xf32>
      tpu.vector_store %arg5[%swap3A_582, %swap3A_583], %swap3A_586 {strides = array<i32>} : memref<64x512xf32, #tpu.memory_space<vmem>>, vector<1x16xf32>,
      %eq3A_587 = arith.constant 36 : i32
      %eq3A_588 = vector.broadcast %eq3A_587 : i32 to vector<16xi32>
      %eq3A_589 = arith.cmpi eq, %get3A_15, %eq3A_588 : vector<16xi32>
      %jit3A_590 = arith.constant 1.000000e+00 : f32
      %jit3A_591 = arith.constant 0.000000e+00 : f32
      %broadcast_in_dim3A_592 = vector.broadcast %jit3A_590 : f32 to vector<16xf32>
      %broadcast_in_dim3A_593 = vector.broadcast %jit3A_591 : f32 to vector<16xf32>
      %select_n3A_594 = arith.select %eq3A_589, %broadcast_in_dim3A_592, %broadcast_in_dim3A_593 : vector<16xi1>, vector<16xf32>
      %mul3A_595 = arith.constant 16 : i32
      %mul3A_596 = arith.muli %add3A_11, %mul3A_595 : i32
      %swap3A_597 = arith.constant 36 : i32
      %swap3A_598 = arith.index_cast %swap3A_597 : i32 to index
      %swap3A_599 = arith.index_cast %mul3A_596 : i32 to index
      %swap3A_600 = tpu.vector_load %arg5[%swap3A_598, %swap3A_599] {strides = array<i32>} : memref<64x512xf32, #tpu.memory_space<vmem>>, vector<1x16xf32>,
      %swap3A_601 = vector.shape_cast %swap3A_600 : vector<1x16xf32> to vector<16xf32>
      %swap3A_602 = vector.shape_cast %select_n3A_594 : vector<16xf32> to vector<1x16xf32>
      tpu.vector_store %arg5[%swap3A_598, %swap3A_599], %swap3A_602 {strides = array<i32>} : memref<64x512xf32, #tpu.memory_space<vmem>>, vector<1x16xf32>,
      %eq3A_603 = arith.constant 37 : i32
      %eq3A_604 = vector.broadcast %eq3A_603 : i32 to vector<16xi32>
      %eq3A_605 = arith.cmpi eq, %get3A_15, %eq3A_604 : vector<16xi32>
      %jit3A_606 = arith.constant 1.000000e+00 : f32
      %jit3A_607 = arith.constant 0.000000e+00 : f32
      %broadcast_in_dim3A_608 = vector.broadcast %jit3A_606 : f32 to vector<16xf32>
      %broadcast_in_dim3A_609 = vector.broadcast %jit3A_607 : f32 to vector<16xf32>
      %select_n3A_610 = arith.select %eq3A_605, %broadcast_in_dim3A_608, %broadcast_in_dim3A_609 : vector<16xi1>, vector<16xf32>
      %mul3A_611 = arith.constant 16 : i32
      %mul3A_612 = arith.muli %add3A_11, %mul3A_611 : i32
      %swap3A_613 = arith.constant 37 : i32
      %swap3A_614 = arith.index_cast %swap3A_613 : i32 to index
      %swap3A_615 = arith.index_cast %mul3A_612 : i32 to index
      %swap3A_616 = tpu.vector_load %arg5[%swap3A_614, %swap3A_615] {strides = array<i32>} : memref<64x512xf32, #tpu.memory_space<vmem>>, vector<1x16xf32>,
      %swap3A_617 = vector.shape_cast %swap3A_616 : vector<1x16xf32> to vector<16xf32>
      %swap3A_618 = vector.shape_cast %select_n3A_610 : vector<16xf32> to vector<1x16xf32>
      tpu.vector_store %arg5[%swap3A_614, %swap3A_615], %swap3A_618 {strides = array<i32>} : memref<64x512xf32, #tpu.memory_space<vmem>>, vector<1x16xf32>,
      %eq3A_619 = arith.constant 38 : i32
      %eq3A_620 = vector.broadcast %eq3A_619 : i32 to vector<16xi32>
      %eq3A_621 = arith.cmpi eq, %get3A_15, %eq3A_620 : vector<16xi32>
      %jit3A_622 = arith.constant 1.000000e+00 : f32
      %jit3A_623 = arith.constant 0.000000e+00 : f32
      %broadcast_in_dim3A_624 = vector.broadcast %jit3A_622 : f32 to vector<16xf32>
      %broadcast_in_dim3A_625 = vector.broadcast %jit3A_623 : f32 to vector<16xf32>
      %select_n3A_626 = arith.select %eq3A_621, %broadcast_in_dim3A_624, %broadcast_in_dim3A_625 : vector<16xi1>, vector<16xf32>
      %mul3A_627 = arith.constant 16 : i32
      %mul3A_628 = arith.muli %add3A_11, %mul3A_627 : i32
      %swap3A_629 = arith.constant 38 : i32
      %swap3A_630 = arith.index_cast %swap3A_629 : i32 to index
      %swap3A_631 = arith.index_cast %mul3A_628 : i32 to index
      %swap3A_632 = tpu.vector_load %arg5[%swap3A_630, %swap3A_631] {strides = array<i32>} : memref<64x512xf32, #tpu.memory_space<vmem>>, vector<1x16xf32>,
      %swap3A_633 = vector.shape_cast %swap3A_632 : vector<1x16xf32> to vector<16xf32>
      %swap3A_634 = vector.shape_cast %select_n3A_626 : vector<16xf32> to vector<1x16xf32>
      tpu.vector_store %arg5[%swap3A_630, %swap3A_631], %swap3A_634 {strides = array<i32>} : memref<64x512xf32, #tpu.memory_space<vmem>>, vector<1x16xf32>,
      %eq3A_635 = arith.constant 39 : i32
      %eq3A_636 = vector.broadcast %eq3A_635 : i32 to vector<16xi32>
      %eq3A_637 = arith.cmpi eq, %get3A_15, %eq3A_636 : vector<16xi32>
      %jit3A_638 = arith.constant 1.000000e+00 : f32
      %jit3A_639 = arith.constant 0.000000e+00 : f32
      %broadcast_in_dim3A_640 = vector.broadcast %jit3A_638 : f32 to vector<16xf32>
      %broadcast_in_dim3A_641 = vector.broadcast %jit3A_639 : f32 to vector<16xf32>
      %select_n3A_642 = arith.select %eq3A_637, %broadcast_in_dim3A_640, %broadcast_in_dim3A_641 : vector<16xi1>, vector<16xf32>
      %mul3A_643 = arith.constant 16 : i32
      %mul3A_644 = arith.muli %add3A_11, %mul3A_643 : i32
      %swap3A_645 = arith.constant 39 : i32
      %swap3A_646 = arith.index_cast %swap3A_645 : i32 to index
      %swap3A_647 = arith.index_cast %mul3A_644 : i32 to index
      %swap3A_648 = tpu.vector_load %arg5[%swap3A_646, %swap3A_647] {strides = array<i32>} : memref<64x512xf32, #tpu.memory_space<vmem>>, vector<1x16xf32>,
      %swap3A_649 = vector.shape_cast %swap3A_648 : vector<1x16xf32> to vector<16xf32>
      %swap3A_650 = vector.shape_cast %select_n3A_642 : vector<16xf32> to vector<1x16xf32>
      tpu.vector_store %arg5[%swap3A_646, %swap3A_647], %swap3A_650 {strides = array<i32>} : memref<64x512xf32, #tpu.memory_space<vmem>>, vector<1x16xf32>,
      %eq3A_651 = arith.constant 40 : i32
      %eq3A_652 = vector.broadcast %eq3A_651 : i32 to vector<16xi32>
      %eq3A_653 = arith.cmpi eq, %get3A_15, %eq3A_652 : vector<16xi32>
      %jit3A_654 = arith.constant 1.000000e+00 : f32
      %jit3A_655 = arith.constant 0.000000e+00 : f32
      %broadcast_in_dim3A_656 = vector.broadcast %jit3A_654 : f32 to vector<16xf32>
      %broadcast_in_dim3A_657 = vector.broadcast %jit3A_655 : f32 to vector<16xf32>
      %select_n3A_658 = arith.select %eq3A_653, %broadcast_in_dim3A_656, %broadcast_in_dim3A_657 : vector<16xi1>, vector<16xf32>
      %mul3A_659 = arith.constant 16 : i32
      %mul3A_660 = arith.muli %add3A_11, %mul3A_659 : i32
      %swap3A_661 = arith.constant 40 : i32
      %swap3A_662 = arith.index_cast %swap3A_661 : i32 to index
      %swap3A_663 = arith.index_cast %mul3A_660 : i32 to index
      %swap3A_664 = tpu.vector_load %arg5[%swap3A_662, %swap3A_663] {strides = array<i32>} : memref<64x512xf32, #tpu.memory_space<vmem>>, vector<1x16xf32>,
      %swap3A_665 = vector.shape_cast %swap3A_664 : vector<1x16xf32> to vector<16xf32>
      %swap3A_666 = vector.shape_cast %select_n3A_658 : vector<16xf32> to vector<1x16xf32>
      tpu.vector_store %arg5[%swap3A_662, %swap3A_663], %swap3A_666 {strides = array<i32>} : memref<64x512xf32, #tpu.memory_space<vmem>>, vector<1x16xf32>,
      %eq3A_667 = arith.constant 41 : i32
      %eq3A_668 = vector.broadcast %eq3A_667 : i32 to vector<16xi32>
      %eq3A_669 = arith.cmpi eq, %get3A_15, %eq3A_668 : vector<16xi32>
      %jit3A_670 = arith.constant 1.000000e+00 : f32
      %jit3A_671 = arith.constant 0.000000e+00 : f32
      %broadcast_in_dim3A_672 = vector.broadcast %jit3A_670 : f32 to vector<16xf32>
      %broadcast_in_dim3A_673 = vector.broadcast %jit3A_671 : f32 to vector<16xf32>
      %select_n3A_674 = arith.select %eq3A_669, %broadcast_in_dim3A_672, %broadcast_in_dim3A_673 : vector<16xi1>, vector<16xf32>
      %mul3A_675 = arith.constant 16 : i32
      %mul3A_676 = arith.muli %add3A_11, %mul3A_675 : i32
      %swap3A_677 = arith.constant 41 : i32
      %swap3A_678 = arith.index_cast %swap3A_677 : i32 to index
      %swap3A_679 = arith.index_cast %mul3A_676 : i32 to index
      %swap3A_680 = tpu.vector_load %arg5[%swap3A_678, %swap3A_679] {strides = array<i32>} : memref<64x512xf32, #tpu.memory_space<vmem>>, vector<1x16xf32>,
      %swap3A_681 = vector.shape_cast %swap3A_680 : vector<1x16xf32> to vector<16xf32>
      %swap3A_682 = vector.shape_cast %select_n3A_674 : vector<16xf32> to vector<1x16xf32>
      tpu.vector_store %arg5[%swap3A_678, %swap3A_679], %swap3A_682 {strides = array<i32>} : memref<64x512xf32, #tpu.memory_space<vmem>>, vector<1x16xf32>,
      %eq3A_683 = arith.constant 42 : i32
      %eq3A_684 = vector.broadcast %eq3A_683 : i32 to vector<16xi32>
      %eq3A_685 = arith.cmpi eq, %get3A_15, %eq3A_684 : vector<16xi32>
      %jit3A_686 = arith.constant 1.000000e+00 : f32
      %jit3A_687 = arith.constant 0.000000e+00 : f32
      %broadcast_in_dim3A_688 = vector.broadcast %jit3A_686 : f32 to vector<16xf32>
      %broadcast_in_dim3A_689 = vector.broadcast %jit3A_687 : f32 to vector<16xf32>
      %select_n3A_690 = arith.select %eq3A_685, %broadcast_in_dim3A_688, %broadcast_in_dim3A_689 : vector<16xi1>, vector<16xf32>
      %mul3A_691 = arith.constant 16 : i32
      %mul3A_692 = arith.muli %add3A_11, %mul3A_691 : i32
      %swap3A_693 = arith.constant 42 : i32
      %swap3A_694 = arith.index_cast %swap3A_693 : i32 to index
      %swap3A_695 = arith.index_cast %mul3A_692 : i32 to index
      %swap3A_696 = tpu.vector_load %arg5[%swap3A_694, %swap3A_695] {strides = array<i32>} : memref<64x512xf32, #tpu.memory_space<vmem>>, vector<1x16xf32>,
      %swap3A_697 = vector.shape_cast %swap3A_696 : vector<1x16xf32> to vector<16xf32>
      %swap3A_698 = vector.shape_cast %select_n3A_690 : vector<16xf32> to vector<1x16xf32>
      tpu.vector_store %arg5[%swap3A_694, %swap3A_695], %swap3A_698 {strides = array<i32>} : memref<64x512xf32, #tpu.memory_space<vmem>>, vector<1x16xf32>,
      %eq3A_699 = arith.constant 43 : i32
      %eq3A_700 = vector.broadcast %eq3A_699 : i32 to vector<16xi32>
      %eq3A_701 = arith.cmpi eq, %get3A_15, %eq3A_700 : vector<16xi32>
      %jit3A_702 = arith.constant 1.000000e+00 : f32
      %jit3A_703 = arith.constant 0.000000e+00 : f32
      %broadcast_in_dim3A_704 = vector.broadcast %jit3A_702 : f32 to vector<16xf32>
      %broadcast_in_dim3A_705 = vector.broadcast %jit3A_703 : f32 to vector<16xf32>
      %select_n3A_706 = arith.select %eq3A_701, %broadcast_in_dim3A_704, %broadcast_in_dim3A_705 : vector<16xi1>, vector<16xf32>
      %mul3A_707 = arith.constant 16 : i32
      %mul3A_708 = arith.muli %add3A_11, %mul3A_707 : i32
      %swap3A_709 = arith.constant 43 : i32
      %swap3A_710 = arith.index_cast %swap3A_709 : i32 to index
      %swap3A_711 = arith.index_cast %mul3A_708 : i32 to index
      %swap3A_712 = tpu.vector_load %arg5[%swap3A_710, %swap3A_711] {strides = array<i32>} : memref<64x512xf32, #tpu.memory_space<vmem>>, vector<1x16xf32>,
      %swap3A_713 = vector.shape_cast %swap3A_712 : vector<1x16xf32> to vector<16xf32>
      %swap3A_714 = vector.shape_cast %select_n3A_706 : vector<16xf32> to vector<1x16xf32>
      tpu.vector_store %arg5[%swap3A_710, %swap3A_711], %swap3A_714 {strides = array<i32>} : memref<64x512xf32, #tpu.memory_space<vmem>>, vector<1x16xf32>,
      %eq3A_715 = arith.constant 44 : i32
      %eq3A_716 = vector.broadcast %eq3A_715 : i32 to vector<16xi32>
      %eq3A_717 = arith.cmpi eq, %get3A_15, %eq3A_716 : vector<16xi32>
      %jit3A_718 = arith.constant 1.000000e+00 : f32
      %jit3A_719 = arith.constant 0.000000e+00 : f32
      %broadcast_in_dim3A_720 = vector.broadcast %jit3A_718 : f32 to vector<16xf32>
      %broadcast_in_dim3A_721 = vector.broadcast %jit3A_719 : f32 to vector<16xf32>
      %select_n3A_722 = arith.select %eq3A_717, %broadcast_in_dim3A_720, %broadcast_in_dim3A_721 : vector<16xi1>, vector<16xf32>
      %mul3A_723 = arith.constant 16 : i32
      %mul3A_724 = arith.muli %add3A_11, %mul3A_723 : i32
      %swap3A_725 = arith.constant 44 : i32
      %swap3A_726 = arith.index_cast %swap3A_725 : i32 to index
      %swap3A_727 = arith.index_cast %mul3A_724 : i32 to index
      %swap3A_728 = tpu.vector_load %arg5[%swap3A_726, %swap3A_727] {strides = array<i32>} : memref<64x512xf32, #tpu.memory_space<vmem>>, vector<1x16xf32>,
      %swap3A_729 = vector.shape_cast %swap3A_728 : vector<1x16xf32> to vector<16xf32>
      %swap3A_730 = vector.shape_cast %select_n3A_722 : vector<16xf32> to vector<1x16xf32>
      tpu.vector_store %arg5[%swap3A_726, %swap3A_727], %swap3A_730 {strides = array<i32>} : memref<64x512xf32, #tpu.memory_space<vmem>>, vector<1x16xf32>,
      %eq3A_731 = arith.constant 45 : i32
      %eq3A_732 = vector.broadcast %eq3A_731 : i32 to vector<16xi32>
      %eq3A_733 = arith.cmpi eq, %get3A_15, %eq3A_732 : vector<16xi32>
      %jit3A_734 = arith.constant 1.000000e+00 : f32
      %jit3A_735 = arith.constant 0.000000e+00 : f32
      %broadcast_in_dim3A_736 = vector.broadcast %jit3A_734 : f32 to vector<16xf32>
      %broadcast_in_dim3A_737 = vector.broadcast %jit3A_735 : f32 to vector<16xf32>
      %select_n3A_738 = arith.select %eq3A_733, %broadcast_in_dim3A_736, %broadcast_in_dim3A_737 : vector<16xi1>, vector<16xf32>
      %mul3A_739 = arith.constant 16 : i32
      %mul3A_740 = arith.muli %add3A_11, %mul3A_739 : i32
      %swap3A_741 = arith.constant 45 : i32
      %swap3A_742 = arith.index_cast %swap3A_741 : i32 to index
      %swap3A_743 = arith.index_cast %mul3A_740 : i32 to index
      %swap3A_744 = tpu.vector_load %arg5[%swap3A_742, %swap3A_743] {strides = array<i32>} : memref<64x512xf32, #tpu.memory_space<vmem>>, vector<1x16xf32>,
      %swap3A_745 = vector.shape_cast %swap3A_744 : vector<1x16xf32> to vector<16xf32>
      %swap3A_746 = vector.shape_cast %select_n3A_738 : vector<16xf32> to vector<1x16xf32>
      tpu.vector_store %arg5[%swap3A_742, %swap3A_743], %swap3A_746 {strides = array<i32>} : memref<64x512xf32, #tpu.memory_space<vmem>>, vector<1x16xf32>,
      %eq3A_747 = arith.constant 46 : i32
      %eq3A_748 = vector.broadcast %eq3A_747 : i32 to vector<16xi32>
      %eq3A_749 = arith.cmpi eq, %get3A_15, %eq3A_748 : vector<16xi32>
      %jit3A_750 = arith.constant 1.000000e+00 : f32
      %jit3A_751 = arith.constant 0.000000e+00 : f32
      %broadcast_in_dim3A_752 = vector.broadcast %jit3A_750 : f32 to vector<16xf32>
      %broadcast_in_dim3A_753 = vector.broadcast %jit3A_751 : f32 to vector<16xf32>
      %select_n3A_754 = arith.select %eq3A_749, %broadcast_in_dim3A_752, %broadcast_in_dim3A_753 : vector<16xi1>, vector<16xf32>
      %mul3A_755 = arith.constant 16 : i32
      %mul3A_756 = arith.muli %add3A_11, %mul3A_755 : i32
      %swap3A_757 = arith.constant 46 : i32
      %swap3A_758 = arith.index_cast %swap3A_757 : i32 to index
      %swap3A_759 = arith.index_cast %mul3A_756 : i32 to index
      %swap3A_760 = tpu.vector_load %arg5[%swap3A_758, %swap3A_759] {strides = array<i32>} : memref<64x512xf32, #tpu.memory_space<vmem>>, vector<1x16xf32>,
      %swap3A_761 = vector.shape_cast %swap3A_760 : vector<1x16xf32> to vector<16xf32>
      %swap3A_762 = vector.shape_cast %select_n3A_754 : vector<16xf32> to vector<1x16xf32>
      tpu.vector_store %arg5[%swap3A_758, %swap3A_759], %swap3A_762 {strides = array<i32>} : memref<64x512xf32, #tpu.memory_space<vmem>>, vector<1x16xf32>,
      %eq3A_763 = arith.constant 47 : i32
      %eq3A_764 = vector.broadcast %eq3A_763 : i32 to vector<16xi32>
      %eq3A_765 = arith.cmpi eq, %get3A_15, %eq3A_764 : vector<16xi32>
      %jit3A_766 = arith.constant 1.000000e+00 : f32
      %jit3A_767 = arith.constant 0.000000e+00 : f32
      %broadcast_in_dim3A_768 = vector.broadcast %jit3A_766 : f32 to vector<16xf32>
      %broadcast_in_dim3A_769 = vector.broadcast %jit3A_767 : f32 to vector<16xf32>
      %select_n3A_770 = arith.select %eq3A_765, %broadcast_in_dim3A_768, %broadcast_in_dim3A_769 : vector<16xi1>, vector<16xf32>
      %mul3A_771 = arith.constant 16 : i32
      %mul3A_772 = arith.muli %add3A_11, %mul3A_771 : i32
      %swap3A_773 = arith.constant 47 : i32
      %swap3A_774 = arith.index_cast %swap3A_773 : i32 to index
      %swap3A_775 = arith.index_cast %mul3A_772 : i32 to index
      %swap3A_776 = tpu.vector_load %arg5[%swap3A_774, %swap3A_775] {strides = array<i32>} : memref<64x512xf32, #tpu.memory_space<vmem>>, vector<1x16xf32>,
      %swap3A_777 = vector.shape_cast %swap3A_776 : vector<1x16xf32> to vector<16xf32>
      %swap3A_778 = vector.shape_cast %select_n3A_770 : vector<16xf32> to vector<1x16xf32>
      tpu.vector_store %arg5[%swap3A_774, %swap3A_775], %swap3A_778 {strides = array<i32>} : memref<64x512xf32, #tpu.memory_space<vmem>>, vector<1x16xf32>,
      %eq3A_779 = arith.constant 48 : i32
      %eq3A_780 = vector.broadcast %eq3A_779 : i32 to vector<16xi32>
      %eq3A_781 = arith.cmpi eq, %get3A_15, %eq3A_780 : vector<16xi32>
      %jit3A_782 = arith.constant 1.000000e+00 : f32
      %jit3A_783 = arith.constant 0.000000e+00 : f32
      %broadcast_in_dim3A_784 = vector.broadcast %jit3A_782 : f32 to vector<16xf32>
      %broadcast_in_dim3A_785 = vector.broadcast %jit3A_783 : f32 to vector<16xf32>
      %select_n3A_786 = arith.select %eq3A_781, %broadcast_in_dim3A_784, %broadcast_in_dim3A_785 : vector<16xi1>, vector<16xf32>
      %mul3A_787 = arith.constant 16 : i32
      %mul3A_788 = arith.muli %add3A_11, %mul3A_787 : i32
      %swap3A_789 = arith.constant 48 : i32
      %swap3A_790 = arith.index_cast %swap3A_789 : i32 to index
      %swap3A_791 = arith.index_cast %mul3A_788 : i32 to index
      %swap3A_792 = tpu.vector_load %arg5[%swap3A_790, %swap3A_791] {strides = array<i32>} : memref<64x512xf32, #tpu.memory_space<vmem>>, vector<1x16xf32>,
      %swap3A_793 = vector.shape_cast %swap3A_792 : vector<1x16xf32> to vector<16xf32>
      %swap3A_794 = vector.shape_cast %select_n3A_786 : vector<16xf32> to vector<1x16xf32>
      tpu.vector_store %arg5[%swap3A_790, %swap3A_791], %swap3A_794 {strides = array<i32>} : memref<64x512xf32, #tpu.memory_space<vmem>>, vector<1x16xf32>,
      %eq3A_795 = arith.constant 49 : i32
      %eq3A_796 = vector.broadcast %eq3A_795 : i32 to vector<16xi32>
      %eq3A_797 = arith.cmpi eq, %get3A_15, %eq3A_796 : vector<16xi32>
      %jit3A_798 = arith.constant 1.000000e+00 : f32
      %jit3A_799 = arith.constant 0.000000e+00 : f32
      %broadcast_in_dim3A_800 = vector.broadcast %jit3A_798 : f32 to vector<16xf32>
      %broadcast_in_dim3A_801 = vector.broadcast %jit3A_799 : f32 to vector<16xf32>
      %select_n3A_802 = arith.select %eq3A_797, %broadcast_in_dim3A_800, %broadcast_in_dim3A_801 : vector<16xi1>, vector<16xf32>
      %mul3A_803 = arith.constant 16 : i32
      %mul3A_804 = arith.muli %add3A_11, %mul3A_803 : i32
      %swap3A_805 = arith.constant 49 : i32
      %swap3A_806 = arith.index_cast %swap3A_805 : i32 to index
      %swap3A_807 = arith.index_cast %mul3A_804 : i32 to index
      %swap3A_808 = tpu.vector_load %arg5[%swap3A_806, %swap3A_807] {strides = array<i32>} : memref<64x512xf32, #tpu.memory_space<vmem>>, vector<1x16xf32>,
      %swap3A_809 = vector.shape_cast %swap3A_808 : vector<1x16xf32> to vector<16xf32>
      %swap3A_810 = vector.shape_cast %select_n3A_802 : vector<16xf32> to vector<1x16xf32>
      tpu.vector_store %arg5[%swap3A_806, %swap3A_807], %swap3A_810 {strides = array<i32>} : memref<64x512xf32, #tpu.memory_space<vmem>>, vector<1x16xf32>,
      %eq3A_811 = arith.constant 50 : i32
      %eq3A_812 = vector.broadcast %eq3A_811 : i32 to vector<16xi32>
      %eq3A_813 = arith.cmpi eq, %get3A_15, %eq3A_812 : vector<16xi32>
      %jit3A_814 = arith.constant 1.000000e+00 : f32
      %jit3A_815 = arith.constant 0.000000e+00 : f32
      %broadcast_in_dim3A_816 = vector.broadcast %jit3A_814 : f32 to vector<16xf32>
      %broadcast_in_dim3A_817 = vector.broadcast %jit3A_815 : f32 to vector<16xf32>
      %select_n3A_818 = arith.select %eq3A_813, %broadcast_in_dim3A_816, %broadcast_in_dim3A_817 : vector<16xi1>, vector<16xf32>
      %mul3A_819 = arith.constant 16 : i32
      %mul3A_820 = arith.muli %add3A_11, %mul3A_819 : i32
      %swap3A_821 = arith.constant 50 : i32
      %swap3A_822 = arith.index_cast %swap3A_821 : i32 to index
      %swap3A_823 = arith.index_cast %mul3A_820 : i32 to index
      %swap3A_824 = tpu.vector_load %arg5[%swap3A_822, %swap3A_823] {strides = array<i32>} : memref<64x512xf32, #tpu.memory_space<vmem>>, vector<1x16xf32>,
      %swap3A_825 = vector.shape_cast %swap3A_824 : vector<1x16xf32> to vector<16xf32>
      %swap3A_826 = vector.shape_cast %select_n3A_818 : vector<16xf32> to vector<1x16xf32>
      tpu.vector_store %arg5[%swap3A_822, %swap3A_823], %swap3A_826 {strides = array<i32>} : memref<64x512xf32, #tpu.memory_space<vmem>>, vector<1x16xf32>,
      %eq3A_827 = arith.constant 51 : i32
      %eq3A_828 = vector.broadcast %eq3A_827 : i32 to vector<16xi32>
      %eq3A_829 = arith.cmpi eq, %get3A_15, %eq3A_828 : vector<16xi32>
      %jit3A_830 = arith.constant 1.000000e+00 : f32
      %jit3A_831 = arith.constant 0.000000e+00 : f32
      %broadcast_in_dim3A_832 = vector.broadcast %jit3A_830 : f32 to vector<16xf32>
      %broadcast_in_dim3A_833 = vector.broadcast %jit3A_831 : f32 to vector<16xf32>
      %select_n3A_834 = arith.select %eq3A_829, %broadcast_in_dim3A_832, %broadcast_in_dim3A_833 : vector<16xi1>, vector<16xf32>
      %mul3A_835 = arith.constant 16 : i32
      %mul3A_836 = arith.muli %add3A_11, %mul3A_835 : i32
      %swap3A_837 = arith.constant 51 : i32
      %swap3A_838 = arith.index_cast %swap3A_837 : i32 to index
      %swap3A_839 = arith.index_cast %mul3A_836 : i32 to index
      %swap3A_840 = tpu.vector_load %arg5[%swap3A_838, %swap3A_839] {strides = array<i32>} : memref<64x512xf32, #tpu.memory_space<vmem>>, vector<1x16xf32>,
      %swap3A_841 = vector.shape_cast %swap3A_840 : vector<1x16xf32> to vector<16xf32>
      %swap3A_842 = vector.shape_cast %select_n3A_834 : vector<16xf32> to vector<1x16xf32>
      tpu.vector_store %arg5[%swap3A_838, %swap3A_839], %swap3A_842 {strides = array<i32>} : memref<64x512xf32, #tpu.memory_space<vmem>>, vector<1x16xf32>,
      %eq3A_843 = arith.constant 52 : i32
      %eq3A_844 = vector.broadcast %eq3A_843 : i32 to vector<16xi32>
      %eq3A_845 = arith.cmpi eq, %get3A_15, %eq3A_844 : vector<16xi32>
      %jit3A_846 = arith.constant 1.000000e+00 : f32
      %jit3A_847 = arith.constant 0.000000e+00 : f32
      %broadcast_in_dim3A_848 = vector.broadcast %jit3A_846 : f32 to vector<16xf32>
      %broadcast_in_dim3A_849 = vector.broadcast %jit3A_847 : f32 to vector<16xf32>
      %select_n3A_850 = arith.select %eq3A_845, %broadcast_in_dim3A_848, %broadcast_in_dim3A_849 : vector<16xi1>, vector<16xf32>
      %mul3A_851 = arith.constant 16 : i32
      %mul3A_852 = arith.muli %add3A_11, %mul3A_851 : i32
      %swap3A_853 = arith.constant 52 : i32
      %swap3A_854 = arith.index_cast %swap3A_853 : i32 to index
      %swap3A_855 = arith.index_cast %mul3A_852 : i32 to index
      %swap3A_856 = tpu.vector_load %arg5[%swap3A_854, %swap3A_855] {strides = array<i32>} : memref<64x512xf32, #tpu.memory_space<vmem>>, vector<1x16xf32>,
      %swap3A_857 = vector.shape_cast %swap3A_856 : vector<1x16xf32> to vector<16xf32>
      %swap3A_858 = vector.shape_cast %select_n3A_850 : vector<16xf32> to vector<1x16xf32>
      tpu.vector_store %arg5[%swap3A_854, %swap3A_855], %swap3A_858 {strides = array<i32>} : memref<64x512xf32, #tpu.memory_space<vmem>>, vector<1x16xf32>,
      %eq3A_859 = arith.constant 53 : i32
      %eq3A_860 = vector.broadcast %eq3A_859 : i32 to vector<16xi32>
      %eq3A_861 = arith.cmpi eq, %get3A_15, %eq3A_860 : vector<16xi32>
      %jit3A_862 = arith.constant 1.000000e+00 : f32
      %jit3A_863 = arith.constant 0.000000e+00 : f32
      %broadcast_in_dim3A_864 = vector.broadcast %jit3A_862 : f32 to vector<16xf32>
      %broadcast_in_dim3A_865 = vector.broadcast %jit3A_863 : f32 to vector<16xf32>
      %select_n3A_866 = arith.select %eq3A_861, %broadcast_in_dim3A_864, %broadcast_in_dim3A_865 : vector<16xi1>, vector<16xf32>
      %mul3A_867 = arith.constant 16 : i32
      %mul3A_868 = arith.muli %add3A_11, %mul3A_867 : i32
      %swap3A_869 = arith.constant 53 : i32
      %swap3A_870 = arith.index_cast %swap3A_869 : i32 to index
      %swap3A_871 = arith.index_cast %mul3A_868 : i32 to index
      %swap3A_872 = tpu.vector_load %arg5[%swap3A_870, %swap3A_871] {strides = array<i32>} : memref<64x512xf32, #tpu.memory_space<vmem>>, vector<1x16xf32>,
      %swap3A_873 = vector.shape_cast %swap3A_872 : vector<1x16xf32> to vector<16xf32>
      %swap3A_874 = vector.shape_cast %select_n3A_866 : vector<16xf32> to vector<1x16xf32>
      tpu.vector_store %arg5[%swap3A_870, %swap3A_871], %swap3A_874 {strides = array<i32>} : memref<64x512xf32, #tpu.memory_space<vmem>>, vector<1x16xf32>,
      %eq3A_875 = arith.constant 54 : i32
      %eq3A_876 = vector.broadcast %eq3A_875 : i32 to vector<16xi32>
      %eq3A_877 = arith.cmpi eq, %get3A_15, %eq3A_876 : vector<16xi32>
      %jit3A_878 = arith.constant 1.000000e+00 : f32
      %jit3A_879 = arith.constant 0.000000e+00 : f32
      %broadcast_in_dim3A_880 = vector.broadcast %jit3A_878 : f32 to vector<16xf32>
      %broadcast_in_dim3A_881 = vector.broadcast %jit3A_879 : f32 to vector<16xf32>
      %select_n3A_882 = arith.select %eq3A_877, %broadcast_in_dim3A_880, %broadcast_in_dim3A_881 : vector<16xi1>, vector<16xf32>
      %mul3A_883 = arith.constant 16 : i32
      %mul3A_884 = arith.muli %add3A_11, %mul3A_883 : i32
      %swap3A_885 = arith.constant 54 : i32
      %swap3A_886 = arith.index_cast %swap3A_885 : i32 to index
      %swap3A_887 = arith.index_cast %mul3A_884 : i32 to index
      %swap3A_888 = tpu.vector_load %arg5[%swap3A_886, %swap3A_887] {strides = array<i32>} : memref<64x512xf32, #tpu.memory_space<vmem>>, vector<1x16xf32>,
      %swap3A_889 = vector.shape_cast %swap3A_888 : vector<1x16xf32> to vector<16xf32>
      %swap3A_890 = vector.shape_cast %select_n3A_882 : vector<16xf32> to vector<1x16xf32>
      tpu.vector_store %arg5[%swap3A_886, %swap3A_887], %swap3A_890 {strides = array<i32>} : memref<64x512xf32, #tpu.memory_space<vmem>>, vector<1x16xf32>,
      %eq3A_891 = arith.constant 55 : i32
      %eq3A_892 = vector.broadcast %eq3A_891 : i32 to vector<16xi32>
      %eq3A_893 = arith.cmpi eq, %get3A_15, %eq3A_892 : vector<16xi32>
      %jit3A_894 = arith.constant 1.000000e+00 : f32
      %jit3A_895 = arith.constant 0.000000e+00 : f32
      %broadcast_in_dim3A_896 = vector.broadcast %jit3A_894 : f32 to vector<16xf32>
      %broadcast_in_dim3A_897 = vector.broadcast %jit3A_895 : f32 to vector<16xf32>
      %select_n3A_898 = arith.select %eq3A_893, %broadcast_in_dim3A_896, %broadcast_in_dim3A_897 : vector<16xi1>, vector<16xf32>
      %mul3A_899 = arith.constant 16 : i32
      %mul3A_900 = arith.muli %add3A_11, %mul3A_899 : i32
      %swap3A_901 = arith.constant 55 : i32
      %swap3A_902 = arith.index_cast %swap3A_901 : i32 to index
      %swap3A_903 = arith.index_cast %mul3A_900 : i32 to index
      %swap3A_904 = tpu.vector_load %arg5[%swap3A_902, %swap3A_903] {strides = array<i32>} : memref<64x512xf32, #tpu.memory_space<vmem>>, vector<1x16xf32>,
      %swap3A_905 = vector.shape_cast %swap3A_904 : vector<1x16xf32> to vector<16xf32>
      %swap3A_906 = vector.shape_cast %select_n3A_898 : vector<16xf32> to vector<1x16xf32>
      tpu.vector_store %arg5[%swap3A_902, %swap3A_903], %swap3A_906 {strides = array<i32>} : memref<64x512xf32, #tpu.memory_space<vmem>>, vector<1x16xf32>,
      %eq3A_907 = arith.constant 56 : i32
      %eq3A_908 = vector.broadcast %eq3A_907 : i32 to vector<16xi32>
      %eq3A_909 = arith.cmpi eq, %get3A_15, %eq3A_908 : vector<16xi32>
      %jit3A_910 = arith.constant 1.000000e+00 : f32
      %jit3A_911 = arith.constant 0.000000e+00 : f32
      %broadcast_in_dim3A_912 = vector.broadcast %jit3A_910 : f32 to vector<16xf32>
      %broadcast_in_dim3A_913 = vector.broadcast %jit3A_911 : f32 to vector<16xf32>
      %select_n3A_914 = arith.select %eq3A_909, %broadcast_in_dim3A_912, %broadcast_in_dim3A_913 : vector<16xi1>, vector<16xf32>
      %mul3A_915 = arith.constant 16 : i32
      %mul3A_916 = arith.muli %add3A_11, %mul3A_915 : i32
      %swap3A_917 = arith.constant 56 : i32
      %swap3A_918 = arith.index_cast %swap3A_917 : i32 to index
      %swap3A_919 = arith.index_cast %mul3A_916 : i32 to index
      %swap3A_920 = tpu.vector_load %arg5[%swap3A_918, %swap3A_919] {strides = array<i32>} : memref<64x512xf32, #tpu.memory_space<vmem>>, vector<1x16xf32>,
      %swap3A_921 = vector.shape_cast %swap3A_920 : vector<1x16xf32> to vector<16xf32>
      %swap3A_922 = vector.shape_cast %select_n3A_914 : vector<16xf32> to vector<1x16xf32>
      tpu.vector_store %arg5[%swap3A_918, %swap3A_919], %swap3A_922 {strides = array<i32>} : memref<64x512xf32, #tpu.memory_space<vmem>>, vector<1x16xf32>,
      %eq3A_923 = arith.constant 57 : i32
      %eq3A_924 = vector.broadcast %eq3A_923 : i32 to vector<16xi32>
      %eq3A_925 = arith.cmpi eq, %get3A_15, %eq3A_924 : vector<16xi32>
      %jit3A_926 = arith.constant 1.000000e+00 : f32
      %jit3A_927 = arith.constant 0.000000e+00 : f32
      %broadcast_in_dim3A_928 = vector.broadcast %jit3A_926 : f32 to vector<16xf32>
      %broadcast_in_dim3A_929 = vector.broadcast %jit3A_927 : f32 to vector<16xf32>
      %select_n3A_930 = arith.select %eq3A_925, %broadcast_in_dim3A_928, %broadcast_in_dim3A_929 : vector<16xi1>, vector<16xf32>
      %mul3A_931 = arith.constant 16 : i32
      %mul3A_932 = arith.muli %add3A_11, %mul3A_931 : i32
      %swap3A_933 = arith.constant 57 : i32
      %swap3A_934 = arith.index_cast %swap3A_933 : i32 to index
      %swap3A_935 = arith.index_cast %mul3A_932 : i32 to index
      %swap3A_936 = tpu.vector_load %arg5[%swap3A_934, %swap3A_935] {strides = array<i32>} : memref<64x512xf32, #tpu.memory_space<vmem>>, vector<1x16xf32>,
      %swap3A_937 = vector.shape_cast %swap3A_936 : vector<1x16xf32> to vector<16xf32>
      %swap3A_938 = vector.shape_cast %select_n3A_930 : vector<16xf32> to vector<1x16xf32>
      tpu.vector_store %arg5[%swap3A_934, %swap3A_935], %swap3A_938 {strides = array<i32>} : memref<64x512xf32, #tpu.memory_space<vmem>>, vector<1x16xf32>,
      %eq3A_939 = arith.constant 58 : i32
      %eq3A_940 = vector.broadcast %eq3A_939 : i32 to vector<16xi32>
      %eq3A_941 = arith.cmpi eq, %get3A_15, %eq3A_940 : vector<16xi32>
      %jit3A_942 = arith.constant 1.000000e+00 : f32
      %jit3A_943 = arith.constant 0.000000e+00 : f32
      %broadcast_in_dim3A_944 = vector.broadcast %jit3A_942 : f32 to vector<16xf32>
      %broadcast_in_dim3A_945 = vector.broadcast %jit3A_943 : f32 to vector<16xf32>
      %select_n3A_946 = arith.select %eq3A_941, %broadcast_in_dim3A_944, %broadcast_in_dim3A_945 : vector<16xi1>, vector<16xf32>
      %mul3A_947 = arith.constant 16 : i32
      %mul3A_948 = arith.muli %add3A_11, %mul3A_947 : i32
      %swap3A_949 = arith.constant 58 : i32
      %swap3A_950 = arith.index_cast %swap3A_949 : i32 to index
      %swap3A_951 = arith.index_cast %mul3A_948 : i32 to index
      %swap3A_952 = tpu.vector_load %arg5[%swap3A_950, %swap3A_951] {strides = array<i32>} : memref<64x512xf32, #tpu.memory_space<vmem>>, vector<1x16xf32>,
      %swap3A_953 = vector.shape_cast %swap3A_952 : vector<1x16xf32> to vector<16xf32>
      %swap3A_954 = vector.shape_cast %select_n3A_946 : vector<16xf32> to vector<1x16xf32>
      tpu.vector_store %arg5[%swap3A_950, %swap3A_951], %swap3A_954 {strides = array<i32>} : memref<64x512xf32, #tpu.memory_space<vmem>>, vector<1x16xf32>,
      %eq3A_955 = arith.constant 59 : i32
      %eq3A_956 = vector.broadcast %eq3A_955 : i32 to vector<16xi32>
      %eq3A_957 = arith.cmpi eq, %get3A_15, %eq3A_956 : vector<16xi32>
      %jit3A_958 = arith.constant 1.000000e+00 : f32
      %jit3A_959 = arith.constant 0.000000e+00 : f32
      %broadcast_in_dim3A_960 = vector.broadcast %jit3A_958 : f32 to vector<16xf32>
      %broadcast_in_dim3A_961 = vector.broadcast %jit3A_959 : f32 to vector<16xf32>
      %select_n3A_962 = arith.select %eq3A_957, %broadcast_in_dim3A_960, %broadcast_in_dim3A_961 : vector<16xi1>, vector<16xf32>
      %mul3A_963 = arith.constant 16 : i32
      %mul3A_964 = arith.muli %add3A_11, %mul3A_963 : i32
      %swap3A_965 = arith.constant 59 : i32
      %swap3A_966 = arith.index_cast %swap3A_965 : i32 to index
      %swap3A_967 = arith.index_cast %mul3A_964 : i32 to index
      %swap3A_968 = tpu.vector_load %arg5[%swap3A_966, %swap3A_967] {strides = array<i32>} : memref<64x512xf32, #tpu.memory_space<vmem>>, vector<1x16xf32>,
      %swap3A_969 = vector.shape_cast %swap3A_968 : vector<1x16xf32> to vector<16xf32>
      %swap3A_970 = vector.shape_cast %select_n3A_962 : vector<16xf32> to vector<1x16xf32>
      tpu.vector_store %arg5[%swap3A_966, %swap3A_967], %swap3A_970 {strides = array<i32>} : memref<64x512xf32, #tpu.memory_space<vmem>>, vector<1x16xf32>,
      %eq3A_971 = arith.constant 60 : i32
      %eq3A_972 = vector.broadcast %eq3A_971 : i32 to vector<16xi32>
      %eq3A_973 = arith.cmpi eq, %get3A_15, %eq3A_972 : vector<16xi32>
      %jit3A_974 = arith.constant 1.000000e+00 : f32
      %jit3A_975 = arith.constant 0.000000e+00 : f32
      %broadcast_in_dim3A_976 = vector.broadcast %jit3A_974 : f32 to vector<16xf32>
      %broadcast_in_dim3A_977 = vector.broadcast %jit3A_975 : f32 to vector<16xf32>
      %select_n3A_978 = arith.select %eq3A_973, %broadcast_in_dim3A_976, %broadcast_in_dim3A_977 : vector<16xi1>, vector<16xf32>
      %mul3A_979 = arith.constant 16 : i32
      %mul3A_980 = arith.muli %add3A_11, %mul3A_979 : i32
      %swap3A_981 = arith.constant 60 : i32
      %swap3A_982 = arith.index_cast %swap3A_981 : i32 to index
      %swap3A_983 = arith.index_cast %mul3A_980 : i32 to index
      %swap3A_984 = tpu.vector_load %arg5[%swap3A_982, %swap3A_983] {strides = array<i32>} : memref<64x512xf32, #tpu.memory_space<vmem>>, vector<1x16xf32>,
      %swap3A_985 = vector.shape_cast %swap3A_984 : vector<1x16xf32> to vector<16xf32>
      %swap3A_986 = vector.shape_cast %select_n3A_978 : vector<16xf32> to vector<1x16xf32>
      tpu.vector_store %arg5[%swap3A_982, %swap3A_983], %swap3A_986 {strides = array<i32>} : memref<64x512xf32, #tpu.memory_space<vmem>>, vector<1x16xf32>,
      %eq3A_987 = arith.constant 61 : i32
      %eq3A_988 = vector.broadcast %eq3A_987 : i32 to vector<16xi32>
      %eq3A_989 = arith.cmpi eq, %get3A_15, %eq3A_988 : vector<16xi32>
      %jit3A_990 = arith.constant 1.000000e+00 : f32
      %jit3A_991 = arith.constant 0.000000e+00 : f32
      %broadcast_in_dim3A_992 = vector.broadcast %jit3A_990 : f32 to vector<16xf32>
      %broadcast_in_dim3A_993 = vector.broadcast %jit3A_991 : f32 to vector<16xf32>
      %select_n3A_994 = arith.select %eq3A_989, %broadcast_in_dim3A_992, %broadcast_in_dim3A_993 : vector<16xi1>, vector<16xf32>
      %mul3A_995 = arith.constant 16 : i32
      %mul3A_996 = arith.muli %add3A_11, %mul3A_995 : i32
      %swap3A_997 = arith.constant 61 : i32
      %swap3A_998 = arith.index_cast %swap3A_997 : i32 to index
      %swap3A_999 = arith.index_cast %mul3A_996 : i32 to index
      %swap3A_1000 = tpu.vector_load %arg5[%swap3A_998, %swap3A_999] {strides = array<i32>} : memref<64x512xf32, #tpu.memory_space<vmem>>, vector<1x16xf32>,
      %swap3A_1001 = vector.shape_cast %swap3A_1000 : vector<1x16xf32> to vector<16xf32>
      %swap3A_1002 = vector.shape_cast %select_n3A_994 : vector<16xf32> to vector<1x16xf32>
      tpu.vector_store %arg5[%swap3A_998, %swap3A_999], %swap3A_1002 {strides = array<i32>} : memref<64x512xf32, #tpu.memory_space<vmem>>, vector<1x16xf32>,
      %eq3A_1003 = arith.constant 62 : i32
      %eq3A_1004 = vector.broadcast %eq3A_1003 : i32 to vector<16xi32>
      %eq3A_1005 = arith.cmpi eq, %get3A_15, %eq3A_1004 : vector<16xi32>
      %jit3A_1006 = arith.constant 1.000000e+00 : f32
      %jit3A_1007 = arith.constant 0.000000e+00 : f32
      %broadcast_in_dim3A_1008 = vector.broadcast %jit3A_1006 : f32 to vector<16xf32>
      %broadcast_in_dim3A_1009 = vector.broadcast %jit3A_1007 : f32 to vector<16xf32>
      %select_n3A_1010 = arith.select %eq3A_1005, %broadcast_in_dim3A_1008, %broadcast_in_dim3A_1009 : vector<16xi1>, vector<16xf32>
      %mul3A_1011 = arith.constant 16 : i32
      %mul3A_1012 = arith.muli %add3A_11, %mul3A_1011 : i32
      %swap3A_1013 = arith.constant 62 : i32
      %swap3A_1014 = arith.index_cast %swap3A_1013 : i32 to index
      %swap3A_1015 = arith.index_cast %mul3A_1012 : i32 to index
      %swap3A_1016 = tpu.vector_load %arg5[%swap3A_1014, %swap3A_1015] {strides = array<i32>} : memref<64x512xf32, #tpu.memory_space<vmem>>, vector<1x16xf32>,
      %swap3A_1017 = vector.shape_cast %swap3A_1016 : vector<1x16xf32> to vector<16xf32>
      %swap3A_1018 = vector.shape_cast %select_n3A_1010 : vector<16xf32> to vector<1x16xf32>
      tpu.vector_store %arg5[%swap3A_1014, %swap3A_1015], %swap3A_1018 {strides = array<i32>} : memref<64x512xf32, #tpu.memory_space<vmem>>, vector<1x16xf32>,
      %eq3A_1019 = arith.constant 63 : i32
      %eq3A_1020 = vector.broadcast %eq3A_1019 : i32 to vector<16xi32>
      %eq3A_1021 = arith.cmpi eq, %get3A_15, %eq3A_1020 : vector<16xi32>
      %jit3A_1022 = arith.constant 1.000000e+00 : f32
      %jit3A_1023 = arith.constant 0.000000e+00 : f32
      %broadcast_in_dim3A_1024 = vector.broadcast %jit3A_1022 : f32 to vector<16xf32>
      %broadcast_in_dim3A_1025 = vector.broadcast %jit3A_1023 : f32 to vector<16xf32>
      %select_n3A_1026 = arith.select %eq3A_1021, %broadcast_in_dim3A_1024, %broadcast_in_dim3A_1025 : vector<16xi1>, vector<16xf32>
      %mul3A_1027 = arith.constant 16 : i32
      %mul3A_1028 = arith.muli %add3A_11, %mul3A_1027 : i32
      %swap3A_1029 = arith.constant 63 : i32
      %swap3A_1030 = arith.index_cast %swap3A_1029 : i32 to index
      %swap3A_1031 = arith.index_cast %mul3A_1028 : i32 to index
      %swap3A_1032 = tpu.vector_load %arg5[%swap3A_1030, %swap3A_1031] {strides = array<i32>} : memref<64x512xf32, #tpu.memory_space<vmem>>, vector<1x16xf32>,
      %swap3A_1033 = vector.shape_cast %swap3A_1032 : vector<1x16xf32> to vector<16xf32>
      %swap3A_1034 = vector.shape_cast %select_n3A_1026 : vector<16xf32> to vector<1x16xf32>
      tpu.vector_store %arg5[%swap3A_1030, %swap3A_1031], %swap3A_1034 {strides = array<i32>} : memref<64x512xf32, #tpu.memory_space<vmem>>, vector<1x16xf32>,
    }
    %scan3A_6 = arith.constant 32 : i32
    "tpu.region"() ({
      %run_scoped3A = tpu.sem_alloc : memref<!tpu.dma_semaphore, #tpu.memory_space<semaphore_mem>>
      %dma_start3A = arith.constant 0 : i32
      %dma_start3A_7 = tpu.memref_slice %arg3[%dma_start3A, %mul3A_2] : memref<64x16384xf32, #tpu.memory_space<hbm>> -> memref<64x512xf32, #tpu.memory_space<hbm>>
      %dma_start3A_8 = arith.constant 0 : i32
      %dma_start3A_9 = tpu.memref_slice %arg3[%dma_start3A_8, %mul3A_2] : memref<64x16384xf32, #tpu.memory_space<hbm>> -> memref<64x512xf32, #tpu.memory_space<hbm>>
      tpu.enqueue_dma source(%arg5 : memref<64x512xf32, #tpu.memory_space<vmem>>) target(%dma_start3A_9 : memref<64x512xf32, #tpu.memory_space<hbm>>) target_semaphore(%run_scoped3A : memref<!tpu.dma_semaphore, #tpu.memory_space<semaphore_mem>>)
      %dma_wait3A = arith.constant 0 : i32
      %dma_wait3A_10 = tpu.memref_slice %arg3[%dma_wait3A, %mul3A_2] : memref<64x16384xf32, #tpu.memory_space<hbm>> -> memref<64x512xf32, #tpu.memory_space<hbm>>
      %dma_wait3A_11 = arith.constant 0 : i32
      %dma_wait3A_12 = tpu.memref_slice %arg3[%dma_wait3A_11, %mul3A_2] : memref<64x16384xf32, #tpu.memory_space<hbm>> -> memref<64x512xf32, #tpu.memory_space<hbm>>
      tpu.wait_dma2 semaphore(%run_scoped3A : memref<!tpu.dma_semaphore, #tpu.memory_space<semaphore_mem>>) src(%arg5 : memref<64x512xf32, #tpu.memory_space<vmem>>) dst(%dma_wait3A_12 : memref<64x512xf32, #tpu.memory_space<hbm>>)
      tpu.yield
    }) : () -> ()
    return
  }
}

module attributes {stable_mosaic.version = 14 : i64} {
  func.func @_argmax_kernel(%arg0: i32, %arg1: memref<1024x2048xf32, #tpu.memory_space<vmem>>, %arg2: memref<64x2048xf32, #tpu.memory_space<vmem>>, %arg3: memref<64x1xf32, #tpu.memory_space<vmem>>, %arg4: memref<8x1024xi32, #tpu.memory_space<vmem>>) attributes {dimension_semantics = [#tpu.dimension_semantics<arbitrary>], iteration_bounds = array<i64: 16>, scalar_prefetch = 0 : i64, scratch_operands = 0 : i64, tpu.core_type = #tpu.core_type<tc>, window_params = [{transform_indices = @transform_0, window_bounds = array<i64: 1024, 2048>}, {pipeline_mode = #tpu.pipeline_mode<synchronous>, transform_indices = @transform_1, window_bounds = array<i64: 64, 2048>}, {pipeline_mode = #tpu.pipeline_mode<synchronous>, transform_indices = @transform_2, window_bounds = array<i64: 64, 1>}, {transform_indices = @transform_3, window_bounds = array<i64: 8, 1024>}]} {
    %get3A = arith.constant 0 : index
    %get3A_0 = arith.constant 0 : index
    %get3A_1 = vector.load %arg2[%get3A, %get3A_0] : memref<64x2048xf32, #tpu.memory_space<vmem>>, vector<64x2048xf32>
    %get3A_2 = arith.constant 0 : index
    %get3A_3 = arith.constant 0 : index
    %get3A_4 = vector.load %arg1[%get3A_2, %get3A_3] : memref<1024x2048xf32, #tpu.memory_space<vmem>>, vector<1024x2048xf32>
    %dot_general3A = arith.constant dense<0.000000e+00> : vector<64x1024xf32>
    %dot_general3A_5 = tpu.matmul %get3A_1, %get3A_4, %dot_general3A {dimension_numbers = #tpu.dot_dimension_numbers<[1], [1], [0], [0], [0, 0, 1, 0], [], []>, transpose_lhs_hint = false} : vector<64x2048xf32>, vector<1024x2048xf32>, vector<64x1024xf32> -> vector<64x1024xf32>
    %get3A_6 = arith.constant 0 : index
    %get3A_7 = arith.constant 0 : index
    %get3A_8 = vector.load %arg3[%get3A_6, %get3A_7] : memref<64x1xf32, #tpu.memory_space<vmem>>, vector<64x1xf32>
    %add3A = vector.broadcast %get3A_8 : vector<64x1xf32> to vector<64x1024xf32>
    %add3A_9 = arith.addf %dot_general3A_5, %add3A : vector<64x1024xf32>
    %reduce_max3A = arith.constant dense<0xFF800000> : vector<1024xf32>
    %reduce_max3A_10 = vector.multi_reduction <maximumf>, %add3A_9, %reduce_max3A [0] : vector<64x1024xf32> to vector<1024xf32>
    %broadcast_in_dim3A = vector.shape_cast %reduce_max3A_10 : vector<1024xf32> to vector<1x1024xf32>
    %iota3A = tpu.iota {dimensions = array<i32: 0>} : vector<64x1024xi32>
    %eq3A = vector.broadcast %broadcast_in_dim3A : vector<1x1024xf32> to vector<64x1024xf32>
    %eq3A_11 = arith.cmpf oeq, %add3A_9, %eq3A : vector<64x1024xf32>
    %jit3A = arith.constant 64 : i32
    %broadcast_in_dim3A_12 = vector.broadcast %jit3A : i32 to vector<64x1024xi32>
    %select_n3A = arith.select %eq3A_11, %iota3A, %broadcast_in_dim3A_12 : vector<64x1024xi1>, vector<64x1024xi32>
    %reduce_min3A = arith.constant dense<2147483647> : vector<1024xi32>
    %reduce_min3A_13 = vector.multi_reduction <minsi>, %select_n3A, %reduce_min3A [0] : vector<64x1024xi32> to vector<1024xi32>
    %broadcast_in_dim3A_14 = vector.shape_cast %reduce_min3A_13 : vector<1024xi32> to vector<1x1024xi32>
    %broadcast_in_dim3A_15 = vector.shape_cast %broadcast_in_dim3A_14 : vector<1x1024xi32> to vector<1x1024xi32>
    %broadcast_in_dim3A_16 = vector.broadcast %broadcast_in_dim3A_15 : vector<1x1024xi32> to vector<8x1024xi32>
    %swap3A = arith.constant 0 : index
    %swap3A_17 = arith.constant 0 : index
    %swap3A_18 = vector.load %arg4[%swap3A, %swap3A_17] : memref<8x1024xi32, #tpu.memory_space<vmem>>, vector<8x1024xi32>
    tpu.vector_store %arg4[%swap3A, %swap3A_17], %broadcast_in_dim3A_16 {strides = array<i32>} : memref<8x1024xi32, #tpu.memory_space<vmem>>, vector<8x1024xi32>,
    return
  }
  func.func @transform_0(%arg0: i32) -> (i32, i32) {
    %c0_i32 = arith.constant 0 : i32
    %c0_i32_0 = arith.constant 0 : i32
    return %arg0, %c0_i32 : i32, i32
  }
  func.func @transform_1(%arg0: i32) -> (i32, i32) {
    %c0_i32 = arith.constant 0 : i32
    %c0_i32_0 = arith.constant 0 : i32
    %c0_i32_1 = arith.constant 0 : i32
    return %c0_i32, %c0_i32_0 : i32, i32
  }
  func.func @transform_2(%arg0: i32) -> (i32, i32) {
    %c0_i32 = arith.constant 0 : i32
    %c0_i32_0 = arith.constant 0 : i32
    %c0_i32_1 = arith.constant 0 : i32
    return %c0_i32, %c0_i32_0 : i32, i32
  }
  func.func @transform_3(%arg0: i32) -> (i32, i32) {
    %c0_i32 = arith.constant 0 : i32
    %c0_i32_0 = arith.constant 0 : i32
    return %c0_i32, %arg0 : i32, i32
  }
}

</mosaic_0001>

<sc_bundles>
// kernel: kernel.4.cloned.1.call-start
scs
__scs_entry_jumppad:
0x0: {  	(pc) =	sbr.rel $0x88, $3  }
0x1: {  	(tag) =	ssettag $0x0;
	lr =	simm.s32 $0x1  }
0x2: {  	[smem:$0x3F9E] =	sst lr;
	_ =	strace $0xD0000000  }
0x3: {  	_ = 	snop  }
0x4: {  	_ = 	snop  }
0x5: {  	_ = 	snop  }
0x6: {  	_ = 	snop  }
0x7: {  	_ = 	snop  }
__scs_overlays_trampoline_lowered:
0x8: {  	[smem:$0x3FAD] =	sst s0  }
0x9: {  	[smem:$0x3FAE] =	sst s1  }
0xa: {  	[smem:$0x3FAF] =	sst s2  }
0xb: {  	[smem:$0x3FB0] =	sst s3  }
0xc: {  	[smem:$0x3FB1] =	sst s4  }
0xd: {  	[smem:$0x3FB2] =	sst s5  }
0xe: {  	[smem:$0x3FB3] =	sst s6  }
0xf: {  	[smem:$0x3FB4] =	sst s7  }
0x10: {  	[smem:$0x3FB5] =	sst s8  }
0x11: {  	[smem:$0x3FB6] =	sst s9;
	s0 =	simm.s32 @!p0 $0x0  }
0x12: {  	s1 =	sld [smem:$0x3F9C];
	s0 =	simm.s32 @p0 $0x1  }
0x13: {  	[smem:$0x3FB7] =	sst s0;
	s0 =	simm.s32 @!p1 $0x0  }
0x14: {  	s2 =	sld [smem:$0x3F9B];
	s0 =	simm.s32 @p1 $0x1  }
0x15: {  	[smem:$0x3FB8] =	sst s0;
	s0 =	simm.s32 @!p2 $0x0  }
0x16: {  	s3 =	sld [smem:$0x3FDB];
	s0 =	simm.s32 @p2 $0x1  }
0x17: {  	s4 =	simm.s32 $0x1BF5;
	[smem:$0x3FBA] =	sst s0  }
0x18: {  	s0 =	sld [smem:$0x3F9D];
	_ =	swait.ge [sflag:s4], $0x0  }
0x19: {  	s7 =	sld [smem:$0x3F9E]  }
0x1a: {  	s8 =	sadd.s32 $0xFFFFE003, lr  }
0x1b: {  	s9 =	sadd.s32 $0xFFFFFEF7, lr;
	s5 =	simm.s32 $0xFFFFFFFF;
	p2 =	slt.u32 s8, $0xFFFFF086  }
0x1c: {  	p1 =	slt.u32 s9, $0xF7A;
	s5 =	simm.s32 @!p2 $0x0  }
0x1d: {  	s5 =	simm.s32 @p1 $0x1;
	p0 =	seq.s32 s7, s2  }
0x1e: {  	s7 =	smul.u32 @!p0 $0xF7A, s2;
	p2 =	seq.s32 @!p0 s5, $0x0  }
0x1f: {  	s9 =	smul.u32 $0xF7A, s1;
	s8 =	simm.s32 @!p0 $0x1BF5;
	p2 =	por !p2, p0  }
0x20: {  	[sflag:s8] =	ssyncset.s32 @!p0 $0xFFFFF086;
	s6 =	sadd.s32 @!p0 s3, s7;
	s7 =	simm.s32 @!p0 $0x108  }
0x21: {  	s3 =	sadd.s32 s3, s9;
	s6 =	sadd.s32 @!p0 $0x88, s6;
	s7 =	simm.s32 @p2 $0x1082  }
0x22: {  	[simem:s7], [sflag:s8] =	dma.local @!p0 [hbm:s6], $0xF7A  }
0x23: {  	s9 =	sor.u32 $0xD0000000, s2;
	s6 =	simm.s32 $0x108;
	_ =	swait.ge @!p0 [sflag:s8], $0x0  }
0x24: {  	s3 =	sadd.s32 $0x88, s3;
	s6 =	simm.s32 @!p1 $0x1082;
	[sflag:s4] =	ssyncset.s32 $0xFFFFF086  }
0x25: {  	[simem:s6], [sflag:s4] =	dma.local [hbm:s3], $0xF7A  }
0x26: {  	[smem:$0x3F9E] =	sst s1;
	(tag) =	ssettag s2;
	_ =	strace s9  }
0x27: {  	s1 =	sld [smem:$0x3FAE]  }
0x28: {  	s2 =	sld [smem:$0x3FAF]  }
0x29: {  	s4 =	sld [smem:$0x3FB1]  }
0x2a: {  	p0 =	seq.s32 s5, $0x0;
	s5 =	sld [smem:$0x3FB2]  }
0x2b: {  	s6 =	sld [smem:$0x3FB3]  }
0x2c: {  	s7 =	sld [smem:$0x3FB4]  }
0x2d: {  	s3 =	simm.s32 $0x108;
	s8 =	sld [smem:$0x3FB5]  }
0x2e: {  	s3 =	simm.s32 @!p0 $0x1082;
	s9 =	sld [smem:$0x3FB6]  }
0x2f: {  	lr =	sadd.s32 s0, s3;
	s0 =	sld [smem:$0x3FAD]  }
0x30: {  	s3 =	sld [smem:$0x3FB0]  }
0x31: {  	[smem:$0x3FB9] =	sst s10  }
0x32: {  	s10 =	sld [smem:$0x3FB7];
	_ =	sdelay $0x3  }
0x33: {  	p0 =	seq.s32 s10, $0x1;
	s10 =	sld [smem:$0x3FB9];
	_ =	sdelay $0x3  }
0x34: {  	[smem:$0x3FB9] =	sst s10  }
0x35: {  	s10 =	sld [smem:$0x3FB8];
	_ =	sdelay $0x3  }
0x36: {  	p1 =	seq.s32 s10, $0x1;
	s10 =	sld [smem:$0x3FB9];
	_ =	sdelay $0x3  }
0x37: {  	[smem:$0x3FB9] =	sst s10  }
0x38: {  	s10 =	sld [smem:$0x3FBA]  }
0x39: {  	_ = 	snop;
	(pc) =	sbr.ind lr, $3  }
0x3a: {  	_ = 	snop  }
0x3b: {  	_ = 	snop  }
0x3c: {  	p2 =	seq.s32 s10, $0x1;
	s10 =	sld [smem:$0x3FB9]  }
0x3d: {  	_ =	shalt  }
0x3e: {  	_ =	shalt  }
0x3f: {  	_ =	shalt  }
0x40: {  	_ =	shalt  }
0x41: {  	_ =	shalt  }
0x42: {  	_ =	shalt  }
0x43: {  	_ =	shalt  }
0x44: {  	_ =	shalt  }
0x45: {  	_ =	shalt  }
0x46: {  	_ =	shalt  }
0x47: {  	_ =	shalt  }
0x48: {  	_ =	shalt  }
0x49: {  	_ =	shalt  }
0x4a: {  	_ =	shalt  }
0x4b: {  	_ =	shalt  }
0x4c: {  	_ =	shalt  }
0x4d: {  	_ =	shalt  }
0x4e: {  	_ =	shalt  }
0x4f: {  	_ =	shalt  }
0x50: {  	_ =	shalt  }
0x51: {  	_ =	shalt  }
0x52: {  	_ =	shalt  }
0x53: {  	_ =	shalt  }
0x54: {  	_ =	shalt  }
0x55: {  	_ =	shalt  }
0x56: {  	_ =	shalt  }
0x57: {  	_ =	shalt  }
0x58: {  	_ =	shalt  }
0x59: {  	_ =	shalt  }
0x5a: {  	_ =	shalt  }
0x5b: {  	_ =	shalt  }
0x5c: {  	_ =	shalt  }
0x5d: {  	_ =	shalt  }
0x5e: {  	_ =	shalt  }
0x5f: {  	_ =	shalt  }
0x60: {  	_ =	shalt  }
0x61: {  	_ =	shalt  }
0x62: {  	_ =	shalt  }
0x63: {  	_ =	shalt  }
0x64: {  	_ =	shalt  }
0x65: {  	_ =	shalt  }
0x66: {  	_ =	shalt  }
0x67: {  	_ =	shalt  }
0x68: {  	_ =	shalt  }
0x69: {  	_ =	shalt  }
0x6a: {  	_ =	shalt  }
0x6b: {  	_ =	shalt  }
0x6c: {  	_ =	shalt  }
0x6d: {  	_ =	shalt  }
0x6e: {  	_ =	shalt  }
0x6f: {  	_ =	shalt  }
0x70: {  	_ =	shalt  }
0x71: {  	_ =	shalt  }
0x72: {  	_ =	shalt  }
0x73: {  	_ =	shalt  }
0x74: {  	_ =	shalt  }
0x75: {  	_ =	shalt  }
0x76: {  	_ =	shalt  }
0x77: {  	_ =	shalt  }
0x78: {  	_ =	shalt  }
0x79: {  	_ =	shalt  }
0x7a: {  	_ =	shalt  }
0x7b: {  	_ =	shalt  }
0x7c: {  	_ =	shalt  }
0x7d: {  	_ =	shalt  }
0x7e: {  	_ =	shalt  }
0x7f: {  	_ =	shalt  }
0x80: {  	_ =	shalt  }
0x81: {  	_ =	shalt  }
0x82: {  	_ =	shalt  }
0x83: {  	_ =	shalt  }
0x84: {  	_ =	shalt  }
0x85: {  	_ =	shalt  }
0x86: {  	_ =	shalt  }
0x87: {  	_ =	shalt  }
.Lfunc_end0:
.L_simem_size_0:
called_computation_lowered:
.L_overlay_start_0:
0x88: {  	s2 =	sld [smem:$0x3FD9]  }
0x89: {  	s3 =	sld [smem:$0x3FFE];
	_ =	sdelay $0x1  }
0x8a: {  	s1 =	srdreg.scid  }
0x8b: {  	s0 =	sand.u32 $0x1, s1  }
0x8c: {  	s17 =	sshll.u32 s0, $0xA;
	s2 =	sadd.s32 s3, s2  }
0x8d: {  	s2 =	sadd.s32 s2, s17  }
0x8e: {  	[smem:$0x3FC5] =	sst s2  }
0x8f: {  	_ = 	snop  }
0x90: {  	s2 =	sld [smem:$0x3FD0];
	(tm) =	ssettm $0x1  }
0x91: {  	s18 =	sld [smem:$0x3FFB];
	_ =	sdelay $0x3  }
0x92: {  	_ =	strace s18  }
0x93: {  	s3 =	sld [smem:$0x3FFC];
	_ =	sdelay $0x3  }
0x94: {  	_ =	strace s3  }
0x95: {  	s3 =	sld [smem:$0x3FFD];
	_ =	sdelay $0x3  }
0x96: {  	_ =	strace s3  }
0x97: {  	_ =	strace $0x8FFFFFFF  }
0x98: {  	s19 =	sld [smem:$0x3FDB];
	_ =	sdelay $0x1  }
0x99: {  	s4 =	simm.s32 $_scs_section_size  }
0x9a: {  	s5 =	simm.s32 $_size__tile_overlayer_lowered;
	s6 =	simm.s32 $_tile_overlayer_lowered  }
0x9b: {  	s22 =	simm.s32 $0x1BFF;
	s21 =	sshll.u32 s6, $0x1;
	s3 =	sadd.s32 s4, s19  }
0x9c: {  	s7 =	simm.s32 $0x0;
	s20 =	sshll.u32 s5, $0x1;
	s5 =	sadd.s32 s21, s3  }
0x9d: {  	[timem:s7], [sflag:s22] =	dma.local [hbm:s5], s20  }
0x9e: {  	_ =	swait.ge [sflag:s22], s20  }
0x9f: {  	s4 =	ssub.s32 $0x0, s20;
	[sflag:s22] =	ssyncset.done $0x0  }
0xa0: {  	[sflag:s22] =	ssyncadd.s32 s4;
	_ =	sdelay $0x1  }
0xa1: {  	s23 =	simm.s32 $0x1B8B  }
0xa2: {  	_ =	swait.ge [sflag:s23], $0x1  }
0xa3: {  	[sflag:s23] =	ssyncset.done $0x0  }
0xa4: {  	s25 =	simm.s32 $0x1B8E;
	s24 =	sld [smem:$0x3FFE];
	[sflag:s23] =	ssyncadd.s32 $0xFFFFFFFF  }
0xa5: {  	s26 =	simm.s32 $execute0_lowered;
	[smem:$0x3FD2] =	sst s25  }
0xa6: {  	s5 =	sshll.u32 s26, $0x1;
	_ =	strace $0x80000046;
	[dreg:$0x1] =	wrdreg $0xFFFFFFFF  }
0xa7: {  	s28 =	simm.s32 $_size_execute0_lowered;
	s3 =	sadd.s32 s3, s5;
	[dreg:$0x0] =	wrdreg $0x0  }
0xa8: {  	s5 =	sshll.u32 s28, $0x1;
	[dreg:$0x2] =	wrdreg s3  }
0xa9: {  	[dreg:$0x3] =	wrdreg s5  }
0xaa: {  	[dreg:$0x4] =	wrdreg $0xC0  }
0xab: {  	_ =	task [dreg:s7], $0x5FFFF  }
0xac: {  	[dreg:$0x1] =	wrdreg $0xFFFFFFFF  }
0xad: {  	[dreg:$0x0] =	wrdreg $0x60  }
0xae: {  	[dreg:$0x2] =	wrdreg s24  }
0xaf: {  	[dreg:$0x3] =	wrdreg s2  }
0xb0: {  	[dreg:$0x4] =	wrdreg $0x9  }
0xb1: {  	_ =	task.clear_ibuf [dreg:s7], $0x5FFFF;
	_ =	strace $0x90000046  }
0xb2: {  	s29 =	simm.s32 $0x9;
	_ =	strace $0x80000048  }
0xb3: {  	_ =	swait.ge [sflag:s29], $0x1  }
0xb4: {  	[sflag:s29] =	ssyncadd.s32 $0xFFFFFFFF  }
0xb5: {  	_ =	strace $0x90000048  }
0xb6: {  	_ =	sfence  }
0xb7: {  	s30 =	sld [smem:$0x0];
	_ =	sdelay $0x2  }
0xb8: {  	s31 =	sshll.u32 s1, $0xD;
	s1 =	sshrl.u32 s1, $0x2  }
0xb9: {  	s3 =	sand.u32 $0x4000, s31;
	s1 =	sadd.s32 s1, s30  }
0xba: {  	s0 =	sor.u32 s3, s0;
	s1 =	sshll.u32 s1, $0x11  }
0xbb: {  	s0 =	sor.u32 s1, s0  }
0xbc: {  	s0 =	sadd.s32 $0x8F2B, s0  }
0xbd: {  	[sflag:s0] =	ssyncadd.remote.s32 $0x1  }
0xbe: {  	_ =	sfence.sel $0xFFFF  }
0xbf: {  	[dreg:$0x0] =	wrdreg $0xFFFFFFFF;
	(pc) =	sbr.abs _section_cstart, $3  }
0xc0: {  	[dreg:$0x1] =	wrdreg $0xFFFFFFFF  }
0xc1: {  	_ =	task.clear_ibuf [dreg:s7], $0x2FFFF;
	_ =	strace $0x9FFFFFFF  }
0xc2: {  	(tm) =	ssettm $0x7FFFFFFF  }
0xc3: {  	_ =	shalt  }
tec
execute0_lowered:
.L_overlay_start_1:
0x0: {  	(tag) =	ssettag $0x1  }
0x1: {  	s1 =	srdreg.scid;
	s3 =	rddreg [dreg:$0x0]  }
0x2: {  	s0 =	stileid.u32;
	s5 =	rddreg [dreg:$0x1]  }
0x3: {  	s2 =	simm.s32 $0x0;
	s8 =	simm.s32 $0x20000;
	s4 =	sand.u32 $0x1, s1  }
0x4: {  	s9 =	simm.s32 $0x200;
	s6 =	sshll.u32 s0, $0xA;
	s7 =	sshll.u32 s4, $0x9  }
0x5: {  	s10 =	simm.s32 $0x0;
	s1 =	rddreg [dreg:$0x2];
	s6 =	sor.u32 s7, s6  }
0x6: {  	[smem:$0x7FF] =	sst s2;
	s4 =	ssub.s32 $0x2, s4;
	s7 =	sshrl.u32 s6, $0x3  }
0x7: {  	_ =	strace $0x80000047;
	s31 =	sshrl.u32 s4, $0x1;
	s3 =	sadd.s32 s7, s3  }
0x8: {  	s7 =	ssub.s32 s4, s31;
	s4 =	sadd.s32 s5, s6;
	s6 =	simm.s32 $0x1  }
0x9: {  	v0 =	vimm.f32 $0.0e+00;
	s3 =	sadd.s32 $0x600, s3;
	s5 =	smax.u32 s7, $0x1;
	s7 =	simm.s32 $0x1000  }
.LBB2_1:
0xa: {  	[tilespmem:s2], [sflag:$0x1] =	stream.linear.gather [hbm4b:s3+s2], $0x200, $0x38;
	[tilespmem:$0x8200] =	vst v63  }
0xb: {  	_ =	swait.ge [sflag:s6], $0x200  }
0xc: {  	s11 =	simm.s32 $0x0;
	[sflag:s6] =	ssyncset.done $0x0  }
0xd: {  	s12 =	simm.s32 $0x0;
	s13 =	simm.s32 $0x0;
	[sflag:s6] =	ssyncadd.s32 $0xFFFFFE00  }
.LBB2_2:
0xe: {  	v1 =	vld [tilespmem:s11+$0x0];
	_ =	sdelay $0x4  }
0xf: {  	s14 =	sand.u32 $0x70, s13;
	s15 =	sand.u32 $0xC00, s12;
	vm0 =	veq.s32 v1, $0x0  }
0x10: {  	s14 =	sor.u32 s14, s15;
	vm13 =	veq.s32 v1, $0x1;
	v2 =	vsel vm0, $0x3F800000, v0  }
0x11: {  	vm14 =	veq.s32 v1, $0x2;
	[tilespmem:s14+$0x200] =	vst v2;
	v2 =	vsel vm13, $0x3F800000, v0  }
0x12: {  	vm15 =	veq.s32 v1, $0x3;
	[tilespmem:s14+$0x280] =	vst v2;
	v2 =	vsel vm14, $0x3F800000, v0  }
0x13: {  	vm4 =	veq.s32 v1, $0x4;
	[tilespmem:s14+$0x300] =	vst v2;
	v2 =	vsel vm15, $0x3F800000, v0  }
0x14: {  	vm5 =	veq.s32 v1, $0x5;
	[tilespmem:s14+$0x380] =	vst v2;
	v2 =	vsel vm4, $0x3F800000, v0  }
0x15: {  	vm6 =	veq.s32 v1, $0x6;
	[tilespmem:s14+$0x400] =	vst v2;
	v2 =	vsel vm5, $0x3F800000, v0  }
0x16: {  	s31 =	sor.u32 s12, s13;
	vm7 =	veq.s32 v1, $0x7;
	[tilespmem:s14+$0x480] =	vst v2;
	v2 =	vsel vm6, $0x3F800000, v0  }
0x17: {  	s15 =	sor.u32 $0x380, s31;
	vm8 =	veq.s32 v1, $0x8;
	[tilespmem:s14+$0x500] =	vst v2;
	v2 =	vsel vm7, $0x3F800000, v0  }
0x18: {  	vm9 =	veq.s32 v1, $0x9;
	[tilespmem:s15+$0x200] =	vst v2;
	v2 =	vsel vm8, $0x3F800000, v0  }
0x19: {  	vm10 =	veq.s32 v1, $0xA;
	[tilespmem:s14+$0x1200] =	vst v2;
	v2 =	vsel vm9, $0x3F800000, v0  }
0x1a: {  	vm11 =	veq.s32 v1, $0xB;
	[tilespmem:s14+$0x1280] =	vst v2;
	v2 =	vsel vm10, $0x3F800000, v0  }
0x1b: {  	vm12 =	veq.s32 v1, $0xC;
	[tilespmem:s14+$0x1300] =	vst v2;
	v2 =	vsel vm11, $0x3F800000, v0  }
0x1c: {  	vm13 =	veq.s32 v1, $0xD;
	[tilespmem:s14+$0x1380] =	vst v2;
	v2 =	vsel vm12, $0x3F800000, v0  }
0x1d: {  	vm14 =	veq.s32 v1, $0xE;
	[tilespmem:s14+$0x1400] =	vst v2;
	v2 =	vsel vm13, $0x3F800000, v0  }
0x1e: {  	vm15 =	veq.s32 v1, $0xF;
	[tilespmem:s14+$0x1480] =	vst v2;
	v2 =	vsel vm14, $0x3F800000, v0  }
0x1f: {  	vm4 =	veq.s32 v1, $0x10;
	[tilespmem:s14+$0x1500] =	vst v2;
	v2 =	vsel vm15, $0x3F800000, v0  }
0x20: {  	vm5 =	veq.s32 v1, $0x11;
	[tilespmem:s14+$0x1580] =	vst v2;
	v2 =	vsel vm4, $0x3F800000, v0  }
0x21: {  	vm6 =	veq.s32 v1, $0x12;
	[tilespmem:s14+$0x2200] =	vst v2;
	v2 =	vsel vm5, $0x3F800000, v0  }
0x22: {  	vm7 =	veq.s32 v1, $0x13;
	[tilespmem:s14+$0x2280] =	vst v2;
	v2 =	vsel vm6, $0x3F800000, v0  }
0x23: {  	vm8 =	veq.s32 v1, $0x14;
	[tilespmem:s14+$0x2300] =	vst v2;
	v2 =	vsel vm7, $0x3F800000, v0  }
0x24: {  	vm9 =	veq.s32 v1, $0x15;
	[tilespmem:s14+$0x2380] =	vst v2;
	v2 =	vsel vm8, $0x3F800000, v0  }
0x25: {  	vm10 =	veq.s32 v1, $0x16;
	[tilespmem:s14+$0x2400] =	vst v2;
	v2 =	vsel vm9, $0x3F800000, v0  }
0x26: {  	vm11 =	veq.s32 v1, $0x17;
	[tilespmem:s14+$0x2480] =	vst v2;
	v2 =	vsel vm10, $0x3F800000, v0  }
0x27: {  	vm12 =	veq.s32 v1, $0x18;
	[tilespmem:s14+$0x2500] =	vst v2;
	v2 =	vsel vm11, $0x3F800000, v0  }
0x28: {  	vm13 =	veq.s32 v1, $0x19;
	[tilespmem:s14+$0x2580] =	vst v2;
	v2 =	vsel vm12, $0x3F800000, v0  }
0x29: {  	vm14 =	veq.s32 v1, $0x1A;
	[tilespmem:s14+$0x3200] =	vst v2;
	v2 =	vsel vm13, $0x3F800000, v0  }
0x2a: {  	vm15 =	veq.s32 v1, $0x1B;
	[tilespmem:s14+$0x3280] =	vst v2;
	v2 =	vsel vm14, $0x3F800000, v0  }
0x2b: {  	vm4 =	veq.s32 v1, $0x1C;
	[tilespmem:s14+$0x3300] =	vst v2;
	v2 =	vsel vm15, $0x3F800000, v0  }
0x2c: {  	vm5 =	veq.s32 v1, $0x1D;
	[tilespmem:s14+$0x3380] =	vst v2;
	v2 =	vsel vm4, $0x3F800000, v0  }
0x2d: {  	vm6 =	veq.s32 v1, $0x1E;
	[tilespmem:s14+$0x3400] =	vst v2;
	v2 =	vsel vm5, $0x3F800000, v0  }
0x2e: {  	vm7 =	veq.s32 v1, $0x1F;
	[tilespmem:s14+$0x3480] =	vst v2;
	v2 =	vsel vm6, $0x3F800000, v0  }
0x2f: {  	vm8 =	veq.s32 v1, $0x20;
	[tilespmem:s14+$0x3500] =	vst v2;
	v2 =	vsel vm7, $0x3F800000, v0  }
0x30: {  	vm9 =	veq.s32 v1, $0x21;
	[tilespmem:s14+$0x3580] =	vst v2;
	v2 =	vsel vm8, $0x3F800000, v0  }
0x31: {  	vm10 =	veq.s32 v1, $0x22;
	[tilespmem:s14+$0x4200] =	vst v2;
	v2 =	vsel vm9, $0x3F800000, v0  }
0x32: {  	vm11 =	veq.s32 v1, $0x23;
	[tilespmem:s14+$0x4280] =	vst v2;
	v2 =	vsel vm10, $0x3F800000, v0  }
0x33: {  	vm12 =	veq.s32 v1, $0x24;
	[tilespmem:s14+$0x4300] =	vst v2;
	v2 =	vsel vm11, $0x3F800000, v0  }
0x34: {  	vm13 =	veq.s32 v1, $0x25;
	[tilespmem:s14+$0x4380] =	vst v2;
	v2 =	vsel vm12, $0x3F800000, v0  }
0x35: {  	vm14 =	veq.s32 v1, $0x26;
	[tilespmem:s14+$0x4400] =	vst v2;
	v2 =	vsel vm13, $0x3F800000, v0  }
0x36: {  	vm15 =	veq.s32 v1, $0x27;
	[tilespmem:s14+$0x4480] =	vst v2;
	v2 =	vsel vm14, $0x3F800000, v0  }
0x37: {  	vm4 =	veq.s32 v1, $0x28;
	[tilespmem:s14+$0x4500] =	vst v2;
	v2 =	vsel vm15, $0x3F800000, v0  }
0x38: {  	vm5 =	veq.s32 v1, $0x29;
	[tilespmem:s14+$0x4580] =	vst v2;
	v2 =	vsel vm4, $0x3F800000, v0  }
0x39: {  	vm6 =	veq.s32 v1, $0x2A;
	[tilespmem:s14+$0x5200] =	vst v2;
	v2 =	vsel vm5, $0x3F800000, v0  }
0x3a: {  	vm7 =	veq.s32 v1, $0x2B;
	[tilespmem:s14+$0x5280] =	vst v2;
	v2 =	vsel vm6, $0x3F800000, v0  }
0x3b: {  	vm8 =	veq.s32 v1, $0x2C;
	[tilespmem:s14+$0x5300] =	vst v2;
	v2 =	vsel vm7, $0x3F800000, v0  }
0x3c: {  	vm9 =	veq.s32 v1, $0x2D;
	[tilespmem:s14+$0x5380] =	vst v2;
	v2 =	vsel vm8, $0x3F800000, v0  }
0x3d: {  	vm10 =	veq.s32 v1, $0x2E;
	vm11 =	veq.s32 v1, $0x2F;
	[tilespmem:s14+$0x5400] =	vst v2;
	v2 =	vsel vm9, $0x3F800000, v0  }
0x3e: {  	vm12 =	veq.s32 v1, $0x30;
	vm13 =	veq.s32 v1, $0x31;
	[tilespmem:s14+$0x5480] =	vst v2;
	v2 =	vsel vm10, $0x3F800000, v0  }
0x3f: {  	vm14 =	veq.s32 v1, $0x32;
	vm15 =	veq.s32 v1, $0x33;
	[tilespmem:s14+$0x5500] =	vst v2;
	v2 =	vsel vm11, $0x3F800000, v0  }
0x40: {  	vm4 =	veq.s32 v1, $0x34;
	vm5 =	veq.s32 v1, $0x35;
	[tilespmem:s14+$0x5580] =	vst v2;
	v2 =	vsel vm12, $0x3F800000, v0  }
0x41: {  	vm6 =	veq.s32 v1, $0x36;
	vm7 =	veq.s32 v1, $0x37;
	[tilespmem:s14+$0x6200] =	vst v2;
	v2 =	vsel vm13, $0x3F800000, v0  }
0x42: {  	vm8 =	veq.s32 v1, $0x38;
	vm9 =	veq.s32 v1, $0x39;
	[tilespmem:s14+$0x6280] =	vst v2;
	v2 =	vsel vm14, $0x3F800000, v0  }
0x43: {  	vm10 =	veq.s32 v1, $0x3A;
	vm11 =	veq.s32 v1, $0x3B;
	[tilespmem:s14+$0x6300] =	vst v2;
	v2 =	vsel vm15, $0x3F800000, v0  }
0x44: {  	vm12 =	veq.s32 v1, $0x3C;
	vm15 =	veq.s32 v1, $0x3F;
	[tilespmem:s14+$0x6380] =	vst v2;
	v2 =	vsel vm4, $0x3F800000, v0  }
0x45: {  	vm13 =	veq.s32 v1, $0x3D;
	vm14 =	veq.s32 v1, $0x3E;
	v1 =	vsel vm15, $0x3F800000, v0;
	[tilespmem:s14+$0x6400] =	vst v2  }
0x46: {  	v2 =	vsel vm5, $0x3F800000, v0;
	[tilespmem:s14+$0x7580] =	vst v1  }
0x47: {  	[tilespmem:s14+$0x6480] =	vst v2;
	v2 =	vsel vm6, $0x3F800000, v0  }
0x48: {  	[tilespmem:s14+$0x6500] =	vst v2;
	v2 =	vsel vm7, $0x3F800000, v0  }
0x49: {  	[tilespmem:s14+$0x6580] =	vst v2;
	v2 =	vsel vm8, $0x3F800000, v0  }
0x4a: {  	[tilespmem:s14+$0x7200] =	vst v2;
	v2 =	vsel vm9, $0x3F800000, v0  }
0x4b: {  	p0 =	sne.s32 s13, $0x1F0;
	[tilespmem:s14+$0x7280] =	vst v2;
	v2 =	vsel vm10, $0x3F800000, v0  }
.Ltmp0:
0x4c: {  	[tilespmem:s14+$0x7300] =	vst v2;
	v2 =	vsel vm11, $0x3F800000, v0;
	(pc) =	sbr.rel @p0 .LBB2_2-.Ltmp0, $4  }
0x4d: {  	[tilespmem:s14+$0x7380] =	vst v2;
	v2 =	vsel vm12, $0x3F800000, v0  }
0x4e: {  	[tilespmem:s14+$0x7400] =	vst v2;
	v2 =	vsel vm13, $0x3F800000, v0  }
0x4f: {  	[tilespmem:s14+$0x7480] =	vst v2;
	v2 =	vsel vm14, $0x3F800000, v0  }
0x50: {  	s12 =	sadd.s32 $0x80, s12;
	s11 =	sadd.s32 $0x10, s11;
	s13 =	sadd.s32 $0x10, s13;
	[tilespmem:s14+$0x7500] =	vst v2  }
0x51: {  	s10 =	sadd.s32 $0x1, s10  }
0x52: {  	p0 =	sne.s32 s10, s5  }
.Ltmp1:
0x53: {  	_ = 	snop;
	(pc) =	sbr.rel @p0 .LBB2_1-.Ltmp1, $4  }
0x54: {  	[hbm4b:s4+s7] =	stream.strided.scatter [tilespmem:s9], [sflag:$0x1], $0x8000, s8, s7, $0x38;
	[tilespmem:$0x8200] =	vst v63  }
0x55: {  	_ =	swait.ge [sflag:s6], $0x8000  }
0x56: {  	[sflag:s6] =	ssyncset.done $0x0  }
0x57: {  	[sflag:s6] =	ssyncadd.s32 $0xFFFF8000  }
0x58: {  	_ =	sfence.sel $0x180000  }
0x59: {  	[bflag:$0x0] =	sbarrier.arrive $0xFFFF  }
0x5a: {  	p0 =	sne.s32 s0, $0x0;
	_ =	strace $0x90000047  }
0x5b: {  	s0 =	sadd.s32 @!p0 $0x100000, s1;
	[bflag:$0x2] =	sbarrier.arrive $0xFFFF  }
0x5c: {  	[sflag:s0] =	ssyncadd.tile.s32 @!p0 $0x1;
	_ =	shalt  }
.Lfunc_end2:
_tile_overlayer_lowered:
.L_overlay_start_2:
0x5d: {  	(tag) =	ssettag $0x2  }
0x5e: {  	s0 =	rddreg [dreg:$0x0];
	s2 =	stileid.u32  }
0x5f: {  	s1 =	rddreg [dreg:$0x1];
	p0 =	sne.s32 s2, $0x0  }
0x60: {  	s3 =	rddreg [dreg:$0x2];
	[bflag:$0x3] =	sbarrier.arrive $0xFFFF;
	s2 =	simm.s32 @!p0 $0x1C01  }
0x61: {  	[timem:s3], [sflag:s2] =	dma.local @!p0 [hbm:s0], s1  }
0x62: {  	s0 =	simm.s32 @!p0 $0x1  }
0x63: {  	_ =	swait.ge @!p0 [sflag:s0], s1  }
0x64: {  	s1 =	ssub.s32 @!p0 $0x0, s1;
	[sflag:s0] =	ssyncset.done @!p0 $0x0  }
0x65: {  	[sflag:s0] =	ssyncadd.s32 @!p0 s1  }
0x66: {  	[bflag:$0x3] =	sbarrier.arrive $0xFFFF  }
0x67: {  	_ =	shalt  }

</sc_bundles>
